<compile_context>
chip_gen: v7x
topology: tpu7x:2x2x1
jax: 0.10.2.dev20260603
libtpu: 0.0.44.dev20260713+nightly
codegen_flags: <defaults>
</compile_context>

<pallas_src>
import functools

import jax
import jax.numpy as jnp
from jax.experimental import pallas as pl
from jax.experimental.pallas import tpu as pltpu
from jax.experimental.pallas import tpu_sc as plsc

B = 4096
L = 50
D_EMB = 64
N_TYPES = 9
LN_EPS = 1e-3

_NC = 2
_NS = 16
_NW = _NC * _NS
_B_BLK = 512
_G = 128


def _sc_gather_all(content_tab2, tok_idx, user_tab2, handle_idx,
                   type_table, type_idx):
    n_tok = tok_idx.size
    tok_pw = n_tok // _NW
    n_ch = tok_pw // _G
    u_pw = B // _NW
    d2 = content_tab2.shape[1]
    d_t = type_table.shape[1]
    tok3 = tok_idx.reshape(_NW, n_ch, _G)
    hand2 = handle_idx.reshape(_NW, u_pw)
    typ2 = type_idx.reshape(_NW, u_pw)
    mesh = plsc.VectorSubcoreMesh(core_axis_name="c", subcore_axis_name="s")

    @functools.partial(
        pl.kernel, mesh=mesh,
        out_type=(jax.ShapeDtypeStruct((n_tok, d2), jnp.float32),
                  jax.ShapeDtypeStruct((B, d2), jnp.float32),
                  jax.ShapeDtypeStruct((B, d_t), jnp.float32)),
        scratch_types=[pltpu.VMEM((n_ch, _G), jnp.int32),
                       pltpu.VMEM((_G, d2), jnp.float32),
                       pltpu.VMEM((_G, d2), jnp.float32),
                       pltpu.VMEM((_G, d2), jnp.float32),
                       pltpu.VMEM((_G, d2), jnp.float32),
                       pltpu.VMEM((u_pw,), jnp.int32),
                       pltpu.VMEM((u_pw,), jnp.int32),
                       pltpu.VMEM((u_pw, d2), jnp.float32),
                       pltpu.VMEM((u_pw, d_t), jnp.float32),
                       pltpu.SemaphoreType.DMA,
                       pltpu.SemaphoreType.DMA,
                       pltpu.SemaphoreType.DMA,
                       pltpu.SemaphoreType.DMA,
                       pltpu.SemaphoreType.DMA,
                       pltpu.SemaphoreType.DMA])
    def gather_kernel(ctab, cidx, utab, uidx, ttab, tidx, cout, uout, tout,
                      cidx_v, rows_a, rows_b, rows_c, rows_d, sidx_v, tidx_v,
                      urows_v, trows_v, sem_a, sem_b, sem_c, sem_d,
                      sem_u, sem_t):
        wid = jax.lax.axis_index("s") * _NC + jax.lax.axis_index("c")
        cbase = wid * tok_pw
        pltpu.sync_copy(uidx.at[wid], sidx_v)
        pltpu.sync_copy(tidx.at[wid], tidx_v)
        cu = pltpu.async_copy(utab.at[sidx_v], urows_v, sem_u)
        ct = pltpu.async_copy(ttab.at[tidx_v], trows_v, sem_t)
        pltpu.sync_copy(cidx.at[wid], cidx_v)
        bufs = ((rows_a, sem_a), (rows_b, sem_b),
                (rows_c, sem_c), (rows_d, sem_d))
        n_quad = n_ch // 4 * 4

        @pl.loop(0, n_quad, step=4)
        def _(c):
            cps = [pltpu.async_copy(ctab.at[cidx_v.at[c + k]], buf, sem)
                   for k, (buf, sem) in enumerate(bufs)]
            for k, (buf, _) in enumerate(bufs):
                cps[k].wait()
                pltpu.sync_copy(buf, cout.at[pl.ds(cbase + (c + k) * _G, _G)])

        for c in range(n_quad, n_ch):
            buf, sem = bufs[c - n_quad]
            pltpu.async_copy(ctab.at[cidx_v.at[c]], buf, sem).wait()
            pltpu.sync_copy(buf, cout.at[pl.ds(cbase + c * _G, _G)])

        ubase = wid * u_pw
        cu.wait()
        pltpu.sync_copy(urows_v, uout.at[pl.ds(ubase, u_pw)])
        ct.wait()
        pltpu.sync_copy(trows_v, tout.at[pl.ds(ubase, u_pw)])

    return gather_kernel(content_tab2, tok3, user_tab2, hand2,
                         type_table, typ2)


def _tc_mlp_kernel(cont_ref, vis_ref, typeb_ref, w1a_ref, w1c_ref, w2_ref,
                   b2_ref, g_ref, beta_ref, wout_ref, out_ref):
    x = cont_ref[...]
    qm = jnp.mean(x, axis=0)[:, :D_EMB]
    h1 = jnp.dot(qm, w1a_ref[...], preferred_element_type=jnp.float32)
    h1 += jnp.dot(vis_ref[...][:, :D_EMB], w1c_ref[...],
                  preferred_element_type=jnp.float32)
    h1 += typeb_ref[...]
    h1 = jnp.maximum(h1, 0.0)
    h2 = jnp.dot(h1, w2_ref[...], preferred_element_type=jnp.float32)
    h2 += b2_ref[...]
    h2 = jnp.maximum(h2, 0.0)
    mu = jnp.mean(h2, axis=-1, keepdims=True)
    dev = h2 - mu
    var = jnp.mean(dev * dev, axis=-1, keepdims=True)
    hn = dev * jax.lax.rsqrt(var + LN_EPS) * g_ref[...] + beta_ref[...]
    out_ref[...] = jnp.dot(hn, wout_ref[...], preferred_element_type=jnp.float32)


def kernel(content_tokens, user_type_idx, user_handle_idx, content_table,
           user_table, W1, b1, W2, b2, ln_gamma, ln_beta, W_out):
    n_out = W_out.shape[1]
    type_table = W1[D_EMB:D_EMB + N_TYPES] + b1[None, :]
    ctab2 = jnp.concatenate([content_table, content_table], axis=1)
    utab2 = jnp.concatenate([user_table, user_table], axis=1)
    cont, vis, typeb = _sc_gather_all(
        ctab2, content_tokens.T.reshape(B * L), utab2,
        user_handle_idx, type_table, user_type_idx)

    cont3 = cont.reshape(L, B, 2 * D_EMB)
    w1a = W1[:D_EMB]
    w1c = W1[D_EMB + N_TYPES:]

    grid = (B // _B_BLK,)
    return pl.pallas_call(
        _tc_mlp_kernel,
        grid=grid,
        in_specs=[
            pl.BlockSpec((L, _B_BLK, 2 * D_EMB), lambda i: (0, i, 0)),
            pl.BlockSpec((_B_BLK, 2 * D_EMB), lambda i: (i, 0)),
            pl.BlockSpec((_B_BLK, W1.shape[1]), lambda i: (i, 0)),
            pl.BlockSpec(w1a.shape, lambda i: (0, 0)),
            pl.BlockSpec(w1c.shape, lambda i: (0, 0)),
            pl.BlockSpec(W2.shape, lambda i: (0, 0)),
            pl.BlockSpec((1, W2.shape[1]), lambda i: (0, 0)),
            pl.BlockSpec((1, W2.shape[1]), lambda i: (0, 0)),
            pl.BlockSpec((1, W2.shape[1]), lambda i: (0, 0)),
            pl.BlockSpec(W_out.shape, lambda i: (0, 0)),
        ],
        out_specs=pl.BlockSpec((_B_BLK, n_out), lambda i: (i, 0)),
        out_shape=jax.ShapeDtypeStruct((B, n_out), jnp.float32),
    )(cont3, vis, typeb, w1a, w1c, W2, b2.reshape(1, -1),
      ln_gamma.reshape(1, -1), ln_beta.reshape(1, -1), W_out)

# --- scband reference (transcript-rebuilt; emitter-appended) ---
"""Pipeline reference for scband-user-interests-model-2250562863739 (READ-ONLY COPY).

The authoritative reference and input builder live on the scoring server;
editing this copy changes nothing except your own understanding.
"""

import jax, jax.numpy as jnp
import numpy as np

V_CONTENT = 100002   # TextVectorization vocabulary_size() incl pad + OOV
V_USER = 100001      # StringLookup vocabulary_size() incl 1 OOV
N_TYPES = 9          # 8 user types + 1 OOV
D_EMB = 64
HIDDEN = (256, 128)
N_INTERESTS = 1000
B = 4096
L = 50
LN_EPS = 1e-3        # keras LayerNormalization default epsilon


def setup_inputs(seed: int = 0) -> dict:
    key = jax.random.key(seed)
    ks = jax.random.split(key, 12)
    d_in = D_EMB + N_TYPES + D_EMB  # query_mean + one-hot user type + visitor embedding = 137
    inp = {
        # string pipelines (TextVectorization / StringLookup) abstracted to integer ids
        "content_tokens": jax.random.randint(ks[0], (B, L), 0, V_CONTENT, dtype=jnp.int32),
        "user_type_idx": jax.random.randint(ks[1], (B,), 0, N_TYPES, dtype=jnp.int32),
        "user_handle_idx": jax.random.randint(ks[2], (B,), 0, V_USER, dtype=jnp.int32),
        # learned parameters
        "content_table": jax.random.normal(ks[3], (V_CONTENT, D_EMB), dtype=jnp.float32) * 0.05,
        "user_table": jax.random.normal(ks[4], (V_USER, D_EMB), dtype=jnp.float32) * 0.05,
        "W1": jax.random.normal(ks[5], (d_in, HIDDEN[0]), dtype=jnp.float32) * (1.0 / np.sqrt(d_in)),
        "b1": jnp.zeros((HIDDEN[0],), dtype=jnp.float32),
        "W2": jax.random.normal(ks[6], (HIDDEN[0], HIDDEN[1]), dtype=jnp.float32) * (1.0 / np.sqrt(HIDDEN[0])),
        "b2": jnp.zeros((HIDDEN[1],), dtype=jnp.float32),
        "ln_gamma": jnp.ones((HIDDEN[1],), dtype=jnp.float32),
        "ln_beta": jnp.zeros((HIDDEN[1],), dtype=jnp.float32),
        "W_out": jax.random.normal(ks[7], (HIDDEN[1], N_INTERESTS), dtype=jnp.float32) * (1.0 / np.sqrt(HIDDEN[1])),
    }
    return inp


def reference(content_tokens, user_type_idx, user_handle_idx,
              content_table, user_table, W1, b1, W2, b2, ln_gamma, ln_beta, W_out):
    # content_title_embeddings(tokenize(...)) then mean over token axis
    query_embedding = jnp.take(content_table, content_tokens, axis=0)      # [B, L, D]
    query_mean = jnp.mean(query_embedding, axis=1)                          # [B, D]
    # user type: StringLookup -> one-hot CategoryEncoding
    channel_encoding = jax.nn.one_hot(user_type_idx, N_TYPES, dtype=jnp.float32)  # [B, N_TYPES]
    # user handle embedding lookup
    visitor_embedding = jnp.take(user_table, user_handle_idx, axis=0)       # [B, D]
    # concat features
    user_features = jnp.concatenate([query_mean, channel_encoding, visitor_embedding], axis=-1)
    # hidden relu MLP
    h = jax.nn.relu(user_features @ W1 + b1)
    h = jax.nn.relu(h @ W2 + b2)
    # LayerNormalization(axis=-1)
    mean = jnp.mean(h, axis=-1, keepdims=True)
    var = jnp.var(h, axis=-1, keepdims=True)
    h_norm = (h - mean) / jnp.sqrt(var + LN_EPS) * ln_gamma + ln_beta
    # output layer, no bias, no activation
    return h_norm @ W_out                                                   # [B, N_INTERESTS]

if __name__ == "__main__":
    import jax
    _d = setup_inputs()
    print(jax.jit(kernel)(*tuple(_d.values())))

</pallas_src>

<mosaic_0001>
#map = affine_map<(d0, d1) -> (0, 0)>
#map1 = affine_map<(d0, d1) -> (0, 0, 0)>
module attributes {stable_mosaic.version = 14 : i64} {
  func.func @gather_kernel(%arg0: i32, %arg1: i32, %arg2: memref<100002x128xf32, #tpu.memory_space<hbm>>, %arg3: memref<32x50x128xi32, #tpu.memory_space<hbm>>, %arg4: memref<100001x128xf32, #tpu.memory_space<hbm>>, %arg5: memref<32x128xi32, #tpu.memory_space<hbm>>, %arg6: memref<9x256xf32, #tpu.memory_space<hbm>>, %arg7: memref<32x128xi32, #tpu.memory_space<hbm>>, %arg8: memref<204800x128xf32, #tpu.memory_space<hbm>>, %arg9: memref<4096x128xf32, #tpu.memory_space<hbm>>, %arg10: memref<4096x256xf32, #tpu.memory_space<hbm>>, %arg11: memref<50x128xi32, #tpu.memory_space<vmem>>, %arg12: memref<128x128xf32, #tpu.memory_space<vmem>>, %arg13: memref<128x128xf32, #tpu.memory_space<vmem>>, %arg14: memref<128x128xf32, #tpu.memory_space<vmem>>, %arg15: memref<128x128xf32, #tpu.memory_space<vmem>>, %arg16: memref<128xi32, #tpu.memory_space<vmem>>, %arg17: memref<128xi32, #tpu.memory_space<vmem>>, %arg18: memref<128x128xf32, #tpu.memory_space<vmem>>, %arg19: memref<128x256xf32, #tpu.memory_space<vmem>>, %arg20: memref<!tpu.dma_semaphore, #tpu.memory_space<semaphore_mem>>, %arg21: memref<!tpu.dma_semaphore, #tpu.memory_space<semaphore_mem>>, %arg22: memref<!tpu.dma_semaphore, #tpu.memory_space<semaphore_mem>>, %arg23: memref<!tpu.dma_semaphore, #tpu.memory_space<semaphore_mem>>, %arg24: memref<!tpu.dma_semaphore, #tpu.memory_space<semaphore_mem>>, %arg25: memref<!tpu.dma_semaphore, #tpu.memory_space<semaphore_mem>>) attributes {dimension_semantics = [#tpu.dimension_semantics<core_parallel>, #tpu.dimension_semantics<subcore_parallel>], iteration_bounds = array<i64: 2, 16>, scalar_prefetch = 0 : i64, scratch_operands = 15 : i64, tpu.core_type = #tpu.core_type<sc_vector_subcore>, window_params = [{transform_indices = #map}, {transform_indices = #map1}, {transform_indices = #map}, {transform_indices = #map}, {transform_indices = #map}, {transform_indices = #map}, {transform_indices = #map}, {transform_indices = #map}, {transform_indices = #map}]} {
    %mul3A = arith.constant 2 : i32
    %mul3A_0 = arith.muli %arg1, %mul3A : i32
    %add3A = arith.addi %mul3A_0, %arg0 : i32
    %mul3A_1 = arith.constant 6400 : i32
    %mul3A_2 = arith.muli %add3A, %mul3A_1 : i32
    "tpu.region"() ({
      %run_scoped3A = tpu.sem_alloc : memref<!tpu.dma_semaphore, #tpu.memory_space<semaphore_mem>>
      %dma_start3A_51 = arith.constant 0 : i32
      %dma_start3A_52 = tpu.memref_slice %arg5[%add3A, %dma_start3A_51] : memref<32x128xi32, #tpu.memory_space<hbm>> -> memref<1x128xi32, #tpu.memory_space<hbm>>
      %dma_start3A_53 = tpu.memref_squeeze %dma_start3A_52 : memref<1x128xi32, #tpu.memory_space<hbm>> -> memref<128xi32, #tpu.memory_space<hbm>>
      %dma_start3A_54 = arith.constant 0 : i32
      %dma_start3A_55 = tpu.memref_slice %arg5[%add3A, %dma_start3A_54] : memref<32x128xi32, #tpu.memory_space<hbm>> -> memref<1x128xi32, #tpu.memory_space<hbm>>
      %dma_start3A_56 = tpu.memref_squeeze %dma_start3A_55 : memref<1x128xi32, #tpu.memory_space<hbm>> -> memref<128xi32, #tpu.memory_space<hbm>>
      tpu.enqueue_dma source(%dma_start3A_56 : memref<128xi32, #tpu.memory_space<hbm>>) target(%arg16 : memref<128xi32, #tpu.memory_space<vmem>>) target_semaphore(%run_scoped3A : memref<!tpu.dma_semaphore, #tpu.memory_space<semaphore_mem>>)
      %dma_wait3A_57 = arith.constant 0 : i32
      %dma_wait3A_58 = tpu.memref_slice %arg5[%add3A, %dma_wait3A_57] : memref<32x128xi32, #tpu.memory_space<hbm>> -> memref<1x128xi32, #tpu.memory_space<hbm>>
      %dma_wait3A_59 = tpu.memref_squeeze %dma_wait3A_58 : memref<1x128xi32, #tpu.memory_space<hbm>> -> memref<128xi32, #tpu.memory_space<hbm>>
      %dma_wait3A_60 = arith.constant 0 : i32
      %dma_wait3A_61 = tpu.memref_slice %arg5[%add3A, %dma_wait3A_60] : memref<32x128xi32, #tpu.memory_space<hbm>> -> memref<1x128xi32, #tpu.memory_space<hbm>>
      %dma_wait3A_62 = tpu.memref_squeeze %dma_wait3A_61 : memref<1x128xi32, #tpu.memory_space<hbm>> -> memref<128xi32, #tpu.memory_space<hbm>>
      tpu.wait_dma2 semaphore(%run_scoped3A : memref<!tpu.dma_semaphore, #tpu.memory_space<semaphore_mem>>) src(%dma_wait3A_62 : memref<128xi32, #tpu.memory_space<hbm>>) dst(%arg16 : memref<128xi32, #tpu.memory_space<vmem>>)
      tpu.yield
    }) : () -> ()
    "tpu.region"() ({
      %run_scoped3A = tpu.sem_alloc : memref<!tpu.dma_semaphore, #tpu.memory_space<semaphore_mem>>
      %dma_start3A_51 = arith.constant 0 : i32
      %dma_start3A_52 = tpu.memref_slice %arg7[%add3A, %dma_start3A_51] : memref<32x128xi32, #tpu.memory_space<hbm>> -> memref<1x128xi32, #tpu.memory_space<hbm>>
      %dma_start3A_53 = tpu.memref_squeeze %dma_start3A_52 : memref<1x128xi32, #tpu.memory_space<hbm>> -> memref<128xi32, #tpu.memory_space<hbm>>
      %dma_start3A_54 = arith.constant 0 : i32
      %dma_start3A_55 = tpu.memref_slice %arg7[%add3A, %dma_start3A_54] : memref<32x128xi32, #tpu.memory_space<hbm>> -> memref<1x128xi32, #tpu.memory_space<hbm>>
      %dma_start3A_56 = tpu.memref_squeeze %dma_start3A_55 : memref<1x128xi32, #tpu.memory_space<hbm>> -> memref<128xi32, #tpu.memory_space<hbm>>
      tpu.enqueue_dma source(%dma_start3A_56 : memref<128xi32, #tpu.memory_space<hbm>>) target(%arg17 : memref<128xi32, #tpu.memory_space<vmem>>) target_semaphore(%run_scoped3A : memref<!tpu.dma_semaphore, #tpu.memory_space<semaphore_mem>>)
      %dma_wait3A_57 = arith.constant 0 : i32
      %dma_wait3A_58 = tpu.memref_slice %arg7[%add3A, %dma_wait3A_57] : memref<32x128xi32, #tpu.memory_space<hbm>> -> memref<1x128xi32, #tpu.memory_space<hbm>>
      %dma_wait3A_59 = tpu.memref_squeeze %dma_wait3A_58 : memref<1x128xi32, #tpu.memory_space<hbm>> -> memref<128xi32, #tpu.memory_space<hbm>>
      %dma_wait3A_60 = arith.constant 0 : i32
      %dma_wait3A_61 = tpu.memref_slice %arg7[%add3A, %dma_wait3A_60] : memref<32x128xi32, #tpu.memory_space<hbm>> -> memref<1x128xi32, #tpu.memory_space<hbm>>
      %dma_wait3A_62 = tpu.memref_squeeze %dma_wait3A_61 : memref<1x128xi32, #tpu.memory_space<hbm>> -> memref<128xi32, #tpu.memory_space<hbm>>
      tpu.wait_dma2 semaphore(%run_scoped3A : memref<!tpu.dma_semaphore, #tpu.memory_space<semaphore_mem>>) src(%dma_wait3A_62 : memref<128xi32, #tpu.memory_space<hbm>>) dst(%arg17 : memref<128xi32, #tpu.memory_space<vmem>>)
      tpu.yield
    }) : () -> ()
    %dma_start3A = arith.constant 0 : i32
    %dma_start3A_3 = arith.constant 0 : i32
    %dma_start3A_4 = tpu.memref_slice %arg4[%dma_start3A, %dma_start3A_3] : memref<100001x128xf32, #tpu.memory_space<hbm>> -> memref<100001x128xf32, #tpu.memory_space<hbm>>
    tpu.enqueue_indirect_dma source(%dma_start3A_4 : memref<100001x128xf32, #tpu.memory_space<hbm>>) target(%arg18 : memref<128x128xf32, #tpu.memory_space<vmem>>) offsets(%arg16 : memref<128xi32, #tpu.memory_space<vmem>>) semaphore(%arg24 : memref<!tpu.dma_semaphore, #tpu.memory_space<semaphore_mem>>)
    %dma_start3A_5 = arith.constant 0 : i32
    %dma_start3A_6 = arith.constant 0 : i32
    %dma_start3A_7 = tpu.memref_slice %arg6[%dma_start3A_5, %dma_start3A_6] : memref<9x256xf32, #tpu.memory_space<hbm>> -> memref<9x256xf32, #tpu.memory_space<hbm>>
    tpu.enqueue_indirect_dma source(%dma_start3A_7 : memref<9x256xf32, #tpu.memory_space<hbm>>) target(%arg19 : memref<128x256xf32, #tpu.memory_space<vmem>>) offsets(%arg17 : memref<128xi32, #tpu.memory_space<vmem>>) semaphore(%arg25 : memref<!tpu.dma_semaphore, #tpu.memory_space<semaphore_mem>>)
    "tpu.region"() ({
      %run_scoped3A = tpu.sem_alloc : memref<!tpu.dma_semaphore, #tpu.memory_space<semaphore_mem>>
      %dma_start3A_51 = arith.constant 0 : i32
      %dma_start3A_52 = arith.constant 0 : i32
      %dma_start3A_53 = tpu.memref_slice %arg3[%add3A, %dma_start3A_51, %dma_start3A_52] : memref<32x50x128xi32, #tpu.memory_space<hbm>> -> memref<1x50x128xi32, #tpu.memory_space<hbm>>
      %dma_start3A_54 = tpu.memref_squeeze %dma_start3A_53 : memref<1x50x128xi32, #tpu.memory_space<hbm>> -> memref<50x128xi32, #tpu.memory_space<hbm>>
      %dma_start3A_55 = arith.constant 0 : i32
      %dma_start3A_56 = arith.constant 0 : i32
      %dma_start3A_57 = tpu.memref_slice %arg3[%add3A, %dma_start3A_55, %dma_start3A_56] : memref<32x50x128xi32, #tpu.memory_space<hbm>> -> memref<1x50x128xi32, #tpu.memory_space<hbm>>
      %dma_start3A_58 = tpu.memref_squeeze %dma_start3A_57 : memref<1x50x128xi32, #tpu.memory_space<hbm>> -> memref<50x128xi32, #tpu.memory_space<hbm>>
      tpu.enqueue_dma source(%dma_start3A_58 : memref<50x128xi32, #tpu.memory_space<hbm>>) target(%arg11 : memref<50x128xi32, #tpu.memory_space<vmem>>) target_semaphore(%run_scoped3A : memref<!tpu.dma_semaphore, #tpu.memory_space<semaphore_mem>>)
      %dma_wait3A_59 = arith.constant 0 : i32
      %dma_wait3A_60 = arith.constant 0 : i32
      %dma_wait3A_61 = tpu.memref_slice %arg3[%add3A, %dma_wait3A_59, %dma_wait3A_60] : memref<32x50x128xi32, #tpu.memory_space<hbm>> -> memref<1x50x128xi32, #tpu.memory_space<hbm>>
      %dma_wait3A_62 = tpu.memref_squeeze %dma_wait3A_61 : memref<1x50x128xi32, #tpu.memory_space<hbm>> -> memref<50x128xi32, #tpu.memory_space<hbm>>
      %dma_wait3A_63 = arith.constant 0 : i32
      %dma_wait3A_64 = arith.constant 0 : i32
      %dma_wait3A_65 = tpu.memref_slice %arg3[%add3A, %dma_wait3A_63, %dma_wait3A_64] : memref<32x50x128xi32, #tpu.memory_space<hbm>> -> memref<1x50x128xi32, #tpu.memory_space<hbm>>
      %dma_wait3A_66 = tpu.memref_squeeze %dma_wait3A_65 : memref<1x50x128xi32, #tpu.memory_space<hbm>> -> memref<50x128xi32, #tpu.memory_space<hbm>>
      tpu.wait_dma2 semaphore(%run_scoped3A : memref<!tpu.dma_semaphore, #tpu.memory_space<semaphore_mem>>) src(%dma_wait3A_66 : memref<50x128xi32, #tpu.memory_space<hbm>>) dst(%arg11 : memref<50x128xi32, #tpu.memory_space<vmem>>)
      tpu.yield
    }) : () -> ()
    %scan3A = arith.constant 0 : i32
    %scan3A_8 = arith.constant 12 : i32
    %scan3A_9 = arith.addi %scan3A, %scan3A_8 : i32
    %scan3A_10 = arith.constant 1 : i32
    scf.for %scan3A_51 = %scan3A to %scan3A_9 step %scan3A_10  : i32 {
      %mul3A_52 = arith.constant 4 : i32
      %mul3A_53 = arith.muli %scan3A_51, %mul3A_52 : i32
      %add3A_54 = arith.constant 0 : i32
      %add3A_55 = arith.addi %add3A_54, %mul3A_53 : i32
      %add3A_56 = arith.constant 0 : i32
      %add3A_57 = arith.addi %add3A_55, %add3A_56 : i32
      %dma_start3A_58 = arith.constant 0 : i32
      %dma_start3A_59 = tpu.memref_slice %arg11[%add3A_57, %dma_start3A_58] : memref<50x128xi32, #tpu.memory_space<vmem>> -> memref<1x128xi32, #tpu.memory_space<vmem>>
      %dma_start3A_60 = tpu.memref_squeeze %dma_start3A_59 : memref<1x128xi32, #tpu.memory_space<vmem>> -> memref<128xi32, #tpu.memory_space<vmem>>
      %dma_start3A_61 = arith.constant 0 : i32
      %dma_start3A_62 = arith.constant 0 : i32
      %dma_start3A_63 = tpu.memref_slice %arg2[%dma_start3A_61, %dma_start3A_62] : memref<100002x128xf32, #tpu.memory_space<hbm>> -> memref<100002x128xf32, #tpu.memory_space<hbm>>
      tpu.enqueue_indirect_dma source(%dma_start3A_63 : memref<100002x128xf32, #tpu.memory_space<hbm>>) target(%arg12 : memref<128x128xf32, #tpu.memory_space<vmem>>) offsets(%dma_start3A_60 : memref<128xi32, #tpu.memory_space<vmem>>) semaphore(%arg20 : memref<!tpu.dma_semaphore, #tpu.memory_space<semaphore_mem>>)
      %add3A_64 = arith.constant 1 : i32
      %add3A_65 = arith.addi %add3A_55, %add3A_64 : i32
      %dma_start3A_66 = arith.constant 0 : i32
      %dma_start3A_67 = tpu.memref_slice %arg11[%add3A_65, %dma_start3A_66] : memref<50x128xi32, #tpu.memory_space<vmem>> -> memref<1x128xi32, #tpu.memory_space<vmem>>
      %dma_start3A_68 = tpu.memref_squeeze %dma_start3A_67 : memref<1x128xi32, #tpu.memory_space<vmem>> -> memref<128xi32, #tpu.memory_space<vmem>>
      %dma_start3A_69 = arith.constant 0 : i32
      %dma_start3A_70 = arith.constant 0 : i32
      %dma_start3A_71 = tpu.memref_slice %arg2[%dma_start3A_69, %dma_start3A_70] : memref<100002x128xf32, #tpu.memory_space<hbm>> -> memref<100002x128xf32, #tpu.memory_space<hbm>>
      tpu.enqueue_indirect_dma source(%dma_start3A_71 : memref<100002x128xf32, #tpu.memory_space<hbm>>) target(%arg13 : memref<128x128xf32, #tpu.memory_space<vmem>>) offsets(%dma_start3A_68 : memref<128xi32, #tpu.memory_space<vmem>>) semaphore(%arg21 : memref<!tpu.dma_semaphore, #tpu.memory_space<semaphore_mem>>)
      %add3A_72 = arith.constant 2 : i32
      %add3A_73 = arith.addi %add3A_55, %add3A_72 : i32
      %dma_start3A_74 = arith.constant 0 : i32
      %dma_start3A_75 = tpu.memref_slice %arg11[%add3A_73, %dma_start3A_74] : memref<50x128xi32, #tpu.memory_space<vmem>> -> memref<1x128xi32, #tpu.memory_space<vmem>>
      %dma_start3A_76 = tpu.memref_squeeze %dma_start3A_75 : memref<1x128xi32, #tpu.memory_space<vmem>> -> memref<128xi32, #tpu.memory_space<vmem>>
      %dma_start3A_77 = arith.constant 0 : i32
      %dma_start3A_78 = arith.constant 0 : i32
      %dma_start3A_79 = tpu.memref_slice %arg2[%dma_start3A_77, %dma_start3A_78] : memref<100002x128xf32, #tpu.memory_space<hbm>> -> memref<100002x128xf32, #tpu.memory_space<hbm>>
      tpu.enqueue_indirect_dma source(%dma_start3A_79 : memref<100002x128xf32, #tpu.memory_space<hbm>>) target(%arg14 : memref<128x128xf32, #tpu.memory_space<vmem>>) offsets(%dma_start3A_76 : memref<128xi32, #tpu.memory_space<vmem>>) semaphore(%arg22 : memref<!tpu.dma_semaphore, #tpu.memory_space<semaphore_mem>>)
      %add3A_80 = arith.constant 3 : i32
      %add3A_81 = arith.addi %add3A_55, %add3A_80 : i32
      %dma_start3A_82 = arith.constant 0 : i32
      %dma_start3A_83 = tpu.memref_slice %arg11[%add3A_81, %dma_start3A_82] : memref<50x128xi32, #tpu.memory_space<vmem>> -> memref<1x128xi32, #tpu.memory_space<vmem>>
      %dma_start3A_84 = tpu.memref_squeeze %dma_start3A_83 : memref<1x128xi32, #tpu.memory_space<vmem>> -> memref<128xi32, #tpu.memory_space<vmem>>
      %dma_start3A_85 = arith.constant 0 : i32
      %dma_start3A_86 = arith.constant 0 : i32
      %dma_start3A_87 = tpu.memref_slice %arg2[%dma_start3A_85, %dma_start3A_86] : memref<100002x128xf32, #tpu.memory_space<hbm>> -> memref<100002x128xf32, #tpu.memory_space<hbm>>
      tpu.enqueue_indirect_dma source(%dma_start3A_87 : memref<100002x128xf32, #tpu.memory_space<hbm>>) target(%arg15 : memref<128x128xf32, #tpu.memory_space<vmem>>) offsets(%dma_start3A_84 : memref<128xi32, #tpu.memory_space<vmem>>) semaphore(%arg23 : memref<!tpu.dma_semaphore, #tpu.memory_space<semaphore_mem>>)
      %dma_wait3A_88 = arith.constant 0 : i32
      %dma_wait3A_89 = tpu.memref_slice %arg11[%add3A_57, %dma_wait3A_88] : memref<50x128xi32, #tpu.memory_space<vmem>> -> memref<1x128xi32, #tpu.memory_space<vmem>>
      %dma_wait3A_90 = tpu.memref_squeeze %dma_wait3A_89 : memref<1x128xi32, #tpu.memory_space<vmem>> -> memref<128xi32, #tpu.memory_space<vmem>>
      %dma_wait3A_91 = arith.constant 0 : i32
      %dma_wait3A_92 = arith.constant 0 : i32
      %dma_wait3A_93 = tpu.memref_slice %arg2[%dma_wait3A_91, %dma_wait3A_92] : memref<100002x128xf32, #tpu.memory_space<hbm>> -> memref<100002x128xf32, #tpu.memory_space<hbm>>
      tpu.wait_indirect_dma semaphore(%arg20 : memref<!tpu.dma_semaphore, #tpu.memory_space<semaphore_mem>>) src(%dma_wait3A_93 : memref<100002x128xf32, #tpu.memory_space<hbm>>) dst(%arg12 : memref<128x128xf32, #tpu.memory_space<vmem>>)
      %add3A_94 = arith.constant 0 : i32
      %add3A_95 = arith.addi %add3A_55, %add3A_94 : i32
      %mul3A_96 = arith.constant 128 : i32
      %mul3A_97 = arith.muli %add3A_95, %mul3A_96 : i32
      %add3A_98 = arith.addi %mul3A_2, %mul3A_97 : i32
      "tpu.region"() ({
        %run_scoped3A = tpu.sem_alloc : memref<!tpu.dma_semaphore, #tpu.memory_space<semaphore_mem>>
        %dma_start3A_132 = arith.constant 0 : i32
        %dma_start3A_133 = tpu.memref_slice %arg8[%add3A_98, %dma_start3A_132] : memref<204800x128xf32, #tpu.memory_space<hbm>> -> memref<128x128xf32, #tpu.memory_space<hbm>>
        %dma_start3A_134 = arith.constant 0 : i32
        %dma_start3A_135 = tpu.memref_slice %arg8[%add3A_98, %dma_start3A_134] : memref<204800x128xf32, #tpu.memory_space<hbm>> -> memref<128x128xf32, #tpu.memory_space<hbm>>
        tpu.enqueue_dma source(%arg12 : memref<128x128xf32, #tpu.memory_space<vmem>>) target(%dma_start3A_135 : memref<128x128xf32, #tpu.memory_space<hbm>>) target_semaphore(%run_scoped3A : memref<!tpu.dma_semaphore, #tpu.memory_space<semaphore_mem>>)
        %dma_wait3A_136 = arith.constant 0 : i32
        %dma_wait3A_137 = tpu.memref_slice %arg8[%add3A_98, %dma_wait3A_136] : memref<204800x128xf32, #tpu.memory_space<hbm>> -> memref<128x128xf32, #tpu.memory_space<hbm>>
        %dma_wait3A_138 = arith.constant 0 : i32
        %dma_wait3A_139 = tpu.memref_slice %arg8[%add3A_98, %dma_wait3A_138] : memref<204800x128xf32, #tpu.memory_space<hbm>> -> memref<128x128xf32, #tpu.memory_space<hbm>>
        tpu.wait_dma2 semaphore(%run_scoped3A : memref<!tpu.dma_semaphore, #tpu.memory_space<semaphore_mem>>) src(%arg12 : memref<128x128xf32, #tpu.memory_space<vmem>>) dst(%dma_wait3A_139 : memref<128x128xf32, #tpu.memory_space<hbm>>)
        tpu.yield
      }) : () -> ()
      %dma_wait3A_99 = arith.constant 0 : i32
      %dma_wait3A_100 = tpu.memref_slice %arg11[%add3A_65, %dma_wait3A_99] : memref<50x128xi32, #tpu.memory_space<vmem>> -> memref<1x128xi32, #tpu.memory_space<vmem>>
      %dma_wait3A_101 = tpu.memref_squeeze %dma_wait3A_100 : memref<1x128xi32, #tpu.memory_space<vmem>> -> memref<128xi32, #tpu.memory_space<vmem>>
      %dma_wait3A_102 = arith.constant 0 : i32
      %dma_wait3A_103 = arith.constant 0 : i32
      %dma_wait3A_104 = tpu.memref_slice %arg2[%dma_wait3A_102, %dma_wait3A_103] : memref<100002x128xf32, #tpu.memory_space<hbm>> -> memref<100002x128xf32, #tpu.memory_space<hbm>>
      tpu.wait_indirect_dma semaphore(%arg21 : memref<!tpu.dma_semaphore, #tpu.memory_space<semaphore_mem>>) src(%dma_wait3A_104 : memref<100002x128xf32, #tpu.memory_space<hbm>>) dst(%arg13 : memref<128x128xf32, #tpu.memory_space<vmem>>)
      %add3A_105 = arith.constant 1 : i32
      %add3A_106 = arith.addi %add3A_55, %add3A_105 : i32
      %mul3A_107 = arith.constant 128 : i32
      %mul3A_108 = arith.muli %add3A_106, %mul3A_107 : i32
      %add3A_109 = arith.addi %mul3A_2, %mul3A_108 : i32
      "tpu.region"() ({
        %run_scoped3A = tpu.sem_alloc : memref<!tpu.dma_semaphore, #tpu.memory_space<semaphore_mem>>
        %dma_start3A_132 = arith.constant 0 : i32
        %dma_start3A_133 = tpu.memref_slice %arg8[%add3A_109, %dma_start3A_132] : memref<204800x128xf32, #tpu.memory_space<hbm>> -> memref<128x128xf32, #tpu.memory_space<hbm>>
        %dma_start3A_134 = arith.constant 0 : i32
        %dma_start3A_135 = tpu.memref_slice %arg8[%add3A_109, %dma_start3A_134] : memref<204800x128xf32, #tpu.memory_space<hbm>> -> memref<128x128xf32, #tpu.memory_space<hbm>>
        tpu.enqueue_dma source(%arg13 : memref<128x128xf32, #tpu.memory_space<vmem>>) target(%dma_start3A_135 : memref<128x128xf32, #tpu.memory_space<hbm>>) target_semaphore(%run_scoped3A : memref<!tpu.dma_semaphore, #tpu.memory_space<semaphore_mem>>)
        %dma_wait3A_136 = arith.constant 0 : i32
        %dma_wait3A_137 = tpu.memref_slice %arg8[%add3A_109, %dma_wait3A_136] : memref<204800x128xf32, #tpu.memory_space<hbm>> -> memref<128x128xf32, #tpu.memory_space<hbm>>
        %dma_wait3A_138 = arith.constant 0 : i32
        %dma_wait3A_139 = tpu.memref_slice %arg8[%add3A_109, %dma_wait3A_138] : memref<204800x128xf32, #tpu.memory_space<hbm>> -> memref<128x128xf32, #tpu.memory_space<hbm>>
        tpu.wait_dma2 semaphore(%run_scoped3A : memref<!tpu.dma_semaphore, #tpu.memory_space<semaphore_mem>>) src(%arg13 : memref<128x128xf32, #tpu.memory_space<vmem>>) dst(%dma_wait3A_139 : memref<128x128xf32, #tpu.memory_space<hbm>>)
        tpu.yield
      }) : () -> ()
      %dma_wait3A_110 = arith.constant 0 : i32
      %dma_wait3A_111 = tpu.memref_slice %arg11[%add3A_73, %dma_wait3A_110] : memref<50x128xi32, #tpu.memory_space<vmem>> -> memref<1x128xi32, #tpu.memory_space<vmem>>
      %dma_wait3A_112 = tpu.memref_squeeze %dma_wait3A_111 : memref<1x128xi32, #tpu.memory_space<vmem>> -> memref<128xi32, #tpu.memory_space<vmem>>
      %dma_wait3A_113 = arith.constant 0 : i32
      %dma_wait3A_114 = arith.constant 0 : i32
      %dma_wait3A_115 = tpu.memref_slice %arg2[%dma_wait3A_113, %dma_wait3A_114] : memref<100002x128xf32, #tpu.memory_space<hbm>> -> memref<100002x128xf32, #tpu.memory_space<hbm>>
      tpu.wait_indirect_dma semaphore(%arg22 : memref<!tpu.dma_semaphore, #tpu.memory_space<semaphore_mem>>) src(%dma_wait3A_115 : memref<100002x128xf32, #tpu.memory_space<hbm>>) dst(%arg14 : memref<128x128xf32, #tpu.memory_space<vmem>>)
      %add3A_116 = arith.constant 2 : i32
      %add3A_117 = arith.addi %add3A_55, %add3A_116 : i32
      %mul3A_118 = arith.constant 128 : i32
      %mul3A_119 = arith.muli %add3A_117, %mul3A_118 : i32
      %add3A_120 = arith.addi %mul3A_2, %mul3A_119 : i32
      "tpu.region"() ({
        %run_scoped3A = tpu.sem_alloc : memref<!tpu.dma_semaphore, #tpu.memory_space<semaphore_mem>>
        %dma_start3A_132 = arith.constant 0 : i32
        %dma_start3A_133 = tpu.memref_slice %arg8[%add3A_120, %dma_start3A_132] : memref<204800x128xf32, #tpu.memory_space<hbm>> -> memref<128x128xf32, #tpu.memory_space<hbm>>
        %dma_start3A_134 = arith.constant 0 : i32
        %dma_start3A_135 = tpu.memref_slice %arg8[%add3A_120, %dma_start3A_134] : memref<204800x128xf32, #tpu.memory_space<hbm>> -> memref<128x128xf32, #tpu.memory_space<hbm>>
        tpu.enqueue_dma source(%arg14 : memref<128x128xf32, #tpu.memory_space<vmem>>) target(%dma_start3A_135 : memref<128x128xf32, #tpu.memory_space<hbm>>) target_semaphore(%run_scoped3A : memref<!tpu.dma_semaphore, #tpu.memory_space<semaphore_mem>>)
        %dma_wait3A_136 = arith.constant 0 : i32
        %dma_wait3A_137 = tpu.memref_slice %arg8[%add3A_120, %dma_wait3A_136] : memref<204800x128xf32, #tpu.memory_space<hbm>> -> memref<128x128xf32, #tpu.memory_space<hbm>>
        %dma_wait3A_138 = arith.constant 0 : i32
        %dma_wait3A_139 = tpu.memref_slice %arg8[%add3A_120, %dma_wait3A_138] : memref<204800x128xf32, #tpu.memory_space<hbm>> -> memref<128x128xf32, #tpu.memory_space<hbm>>
        tpu.wait_dma2 semaphore(%run_scoped3A : memref<!tpu.dma_semaphore, #tpu.memory_space<semaphore_mem>>) src(%arg14 : memref<128x128xf32, #tpu.memory_space<vmem>>) dst(%dma_wait3A_139 : memref<128x128xf32, #tpu.memory_space<hbm>>)
        tpu.yield
      }) : () -> ()
      %dma_wait3A_121 = arith.constant 0 : i32
      %dma_wait3A_122 = tpu.memref_slice %arg11[%add3A_81, %dma_wait3A_121] : memref<50x128xi32, #tpu.memory_space<vmem>> -> memref<1x128xi32, #tpu.memory_space<vmem>>
      %dma_wait3A_123 = tpu.memref_squeeze %dma_wait3A_122 : memref<1x128xi32, #tpu.memory_space<vmem>> -> memref<128xi32, #tpu.memory_space<vmem>>
      %dma_wait3A_124 = arith.constant 0 : i32
      %dma_wait3A_125 = arith.constant 0 : i32
      %dma_wait3A_126 = tpu.memref_slice %arg2[%dma_wait3A_124, %dma_wait3A_125] : memref<100002x128xf32, #tpu.memory_space<hbm>> -> memref<100002x128xf32, #tpu.memory_space<hbm>>
      tpu.wait_indirect_dma semaphore(%arg23 : memref<!tpu.dma_semaphore, #tpu.memory_space<semaphore_mem>>) src(%dma_wait3A_126 : memref<100002x128xf32, #tpu.memory_space<hbm>>) dst(%arg15 : memref<128x128xf32, #tpu.memory_space<vmem>>)
      %add3A_127 = arith.constant 3 : i32
      %add3A_128 = arith.addi %add3A_55, %add3A_127 : i32
      %mul3A_129 = arith.constant 128 : i32
      %mul3A_130 = arith.muli %add3A_128, %mul3A_129 : i32
      %add3A_131 = arith.addi %mul3A_2, %mul3A_130 : i32
      "tpu.region"() ({
        %run_scoped3A = tpu.sem_alloc : memref<!tpu.dma_semaphore, #tpu.memory_space<semaphore_mem>>
        %dma_start3A_132 = arith.constant 0 : i32
        %dma_start3A_133 = tpu.memref_slice %arg8[%add3A_131, %dma_start3A_132] : memref<204800x128xf32, #tpu.memory_space<hbm>> -> memref<128x128xf32, #tpu.memory_space<hbm>>
        %dma_start3A_134 = arith.constant 0 : i32
        %dma_start3A_135 = tpu.memref_slice %arg8[%add3A_131, %dma_start3A_134] : memref<204800x128xf32, #tpu.memory_space<hbm>> -> memref<128x128xf32, #tpu.memory_space<hbm>>
        tpu.enqueue_dma source(%arg15 : memref<128x128xf32, #tpu.memory_space<vmem>>) target(%dma_start3A_135 : memref<128x128xf32, #tpu.memory_space<hbm>>) target_semaphore(%run_scoped3A : memref<!tpu.dma_semaphore, #tpu.memory_space<semaphore_mem>>)
        %dma_wait3A_136 = arith.constant 0 : i32
        %dma_wait3A_137 = tpu.memref_slice %arg8[%add3A_131, %dma_wait3A_136] : memref<204800x128xf32, #tpu.memory_space<hbm>> -> memref<128x128xf32, #tpu.memory_space<hbm>>
        %dma_wait3A_138 = arith.constant 0 : i32
        %dma_wait3A_139 = tpu.memref_slice %arg8[%add3A_131, %dma_wait3A_138] : memref<204800x128xf32, #tpu.memory_space<hbm>> -> memref<128x128xf32, #tpu.memory_space<hbm>>
        tpu.wait_dma2 semaphore(%run_scoped3A : memref<!tpu.dma_semaphore, #tpu.memory_space<semaphore_mem>>) src(%arg15 : memref<128x128xf32, #tpu.memory_space<vmem>>) dst(%dma_wait3A_139 : memref<128x128xf32, #tpu.memory_space<hbm>>)
        tpu.yield
      }) : () -> ()
    }
    %scan3A_11 = arith.constant 12 : i32
    %dma_start3A_12 = arith.constant 48 : i32
    %dma_start3A_13 = arith.constant 0 : i32
    %dma_start3A_14 = tpu.memref_slice %arg11[%dma_start3A_12, %dma_start3A_13] : memref<50x128xi32, #tpu.memory_space<vmem>> -> memref<1x128xi32, #tpu.memory_space<vmem>>
    %dma_start3A_15 = tpu.memref_squeeze %dma_start3A_14 : memref<1x128xi32, #tpu.memory_space<vmem>> -> memref<128xi32, #tpu.memory_space<vmem>>
    %dma_start3A_16 = arith.constant 0 : i32
    %dma_start3A_17 = arith.constant 0 : i32
    %dma_start3A_18 = tpu.memref_slice %arg2[%dma_start3A_16, %dma_start3A_17] : memref<100002x128xf32, #tpu.memory_space<hbm>> -> memref<100002x128xf32, #tpu.memory_space<hbm>>
    tpu.enqueue_indirect_dma source(%dma_start3A_18 : memref<100002x128xf32, #tpu.memory_space<hbm>>) target(%arg12 : memref<128x128xf32, #tpu.memory_space<vmem>>) offsets(%dma_start3A_15 : memref<128xi32, #tpu.memory_space<vmem>>) semaphore(%arg20 : memref<!tpu.dma_semaphore, #tpu.memory_space<semaphore_mem>>)
    %dma_wait3A = arith.constant 48 : i32
    %dma_wait3A_19 = arith.constant 0 : i32
    %dma_wait3A_20 = tpu.memref_slice %arg11[%dma_wait3A, %dma_wait3A_19] : memref<50x128xi32, #tpu.memory_space<vmem>> -> memref<1x128xi32, #tpu.memory_space<vmem>>
    %dma_wait3A_21 = tpu.memref_squeeze %dma_wait3A_20 : memref<1x128xi32, #tpu.memory_space<vmem>> -> memref<128xi32, #tpu.memory_space<vmem>>
    %dma_wait3A_22 = arith.constant 0 : i32
    %dma_wait3A_23 = arith.constant 0 : i32
    %dma_wait3A_24 = tpu.memref_slice %arg2[%dma_wait3A_22, %dma_wait3A_23] : memref<100002x128xf32, #tpu.memory_space<hbm>> -> memref<100002x128xf32, #tpu.memory_space<hbm>>
    tpu.wait_indirect_dma semaphore(%arg20 : memref<!tpu.dma_semaphore, #tpu.memory_space<semaphore_mem>>) src(%dma_wait3A_24 : memref<100002x128xf32, #tpu.memory_space<hbm>>) dst(%arg12 : memref<128x128xf32, #tpu.memory_space<vmem>>)
    %add3A_25 = arith.constant 6144 : i32
    %add3A_26 = arith.addi %mul3A_2, %add3A_25 : i32
    "tpu.region"() ({
      %run_scoped3A = tpu.sem_alloc : memref<!tpu.dma_semaphore, #tpu.memory_space<semaphore_mem>>
      %dma_start3A_51 = arith.constant 0 : i32
      %dma_start3A_52 = tpu.memref_slice %arg8[%add3A_26, %dma_start3A_51] : memref<204800x128xf32, #tpu.memory_space<hbm>> -> memref<128x128xf32, #tpu.memory_space<hbm>>
      %dma_start3A_53 = arith.constant 0 : i32
      %dma_start3A_54 = tpu.memref_slice %arg8[%add3A_26, %dma_start3A_53] : memref<204800x128xf32, #tpu.memory_space<hbm>> -> memref<128x128xf32, #tpu.memory_space<hbm>>
      tpu.enqueue_dma source(%arg12 : memref<128x128xf32, #tpu.memory_space<vmem>>) target(%dma_start3A_54 : memref<128x128xf32, #tpu.memory_space<hbm>>) target_semaphore(%run_scoped3A : memref<!tpu.dma_semaphore, #tpu.memory_space<semaphore_mem>>)
      %dma_wait3A_55 = arith.constant 0 : i32
      %dma_wait3A_56 = tpu.memref_slice %arg8[%add3A_26, %dma_wait3A_55] : memref<204800x128xf32, #tpu.memory_space<hbm>> -> memref<128x128xf32, #tpu.memory_space<hbm>>
      %dma_wait3A_57 = arith.constant 0 : i32
      %dma_wait3A_58 = tpu.memref_slice %arg8[%add3A_26, %dma_wait3A_57] : memref<204800x128xf32, #tpu.memory_space<hbm>> -> memref<128x128xf32, #tpu.memory_space<hbm>>
      tpu.wait_dma2 semaphore(%run_scoped3A : memref<!tpu.dma_semaphore, #tpu.memory_space<semaphore_mem>>) src(%arg12 : memref<128x128xf32, #tpu.memory_space<vmem>>) dst(%dma_wait3A_58 : memref<128x128xf32, #tpu.memory_space<hbm>>)
      tpu.yield
    }) : () -> ()
    %dma_start3A_27 = arith.constant 49 : i32
    %dma_start3A_28 = arith.constant 0 : i32
    %dma_start3A_29 = tpu.memref_slice %arg11[%dma_start3A_27, %dma_start3A_28] : memref<50x128xi32, #tpu.memory_space<vmem>> -> memref<1x128xi32, #tpu.memory_space<vmem>>
    %dma_start3A_30 = tpu.memref_squeeze %dma_start3A_29 : memref<1x128xi32, #tpu.memory_space<vmem>> -> memref<128xi32, #tpu.memory_space<vmem>>
    %dma_start3A_31 = arith.constant 0 : i32
    %dma_start3A_32 = arith.constant 0 : i32
    %dma_start3A_33 = tpu.memref_slice %arg2[%dma_start3A_31, %dma_start3A_32] : memref<100002x128xf32, #tpu.memory_space<hbm>> -> memref<100002x128xf32, #tpu.memory_space<hbm>>
    tpu.enqueue_indirect_dma source(%dma_start3A_33 : memref<100002x128xf32, #tpu.memory_space<hbm>>) target(%arg13 : memref<128x128xf32, #tpu.memory_space<vmem>>) offsets(%dma_start3A_30 : memref<128xi32, #tpu.memory_space<vmem>>) semaphore(%arg21 : memref<!tpu.dma_semaphore, #tpu.memory_space<semaphore_mem>>)
    %dma_wait3A_34 = arith.constant 49 : i32
    %dma_wait3A_35 = arith.constant 0 : i32
    %dma_wait3A_36 = tpu.memref_slice %arg11[%dma_wait3A_34, %dma_wait3A_35] : memref<50x128xi32, #tpu.memory_space<vmem>> -> memref<1x128xi32, #tpu.memory_space<vmem>>
    %dma_wait3A_37 = tpu.memref_squeeze %dma_wait3A_36 : memref<1x128xi32, #tpu.memory_space<vmem>> -> memref<128xi32, #tpu.memory_space<vmem>>
    %dma_wait3A_38 = arith.constant 0 : i32
    %dma_wait3A_39 = arith.constant 0 : i32
    %dma_wait3A_40 = tpu.memref_slice %arg2[%dma_wait3A_38, %dma_wait3A_39] : memref<100002x128xf32, #tpu.memory_space<hbm>> -> memref<100002x128xf32, #tpu.memory_space<hbm>>
    tpu.wait_indirect_dma semaphore(%arg21 : memref<!tpu.dma_semaphore, #tpu.memory_space<semaphore_mem>>) src(%dma_wait3A_40 : memref<100002x128xf32, #tpu.memory_space<hbm>>) dst(%arg13 : memref<128x128xf32, #tpu.memory_space<vmem>>)
    %add3A_41 = arith.constant 6272 : i32
    %add3A_42 = arith.addi %mul3A_2, %add3A_41 : i32
    "tpu.region"() ({
      %run_scoped3A = tpu.sem_alloc : memref<!tpu.dma_semaphore, #tpu.memory_space<semaphore_mem>>
      %dma_start3A_51 = arith.constant 0 : i32
      %dma_start3A_52 = tpu.memref_slice %arg8[%add3A_42, %dma_start3A_51] : memref<204800x128xf32, #tpu.memory_space<hbm>> -> memref<128x128xf32, #tpu.memory_space<hbm>>
      %dma_start3A_53 = arith.constant 0 : i32
      %dma_start3A_54 = tpu.memref_slice %arg8[%add3A_42, %dma_start3A_53] : memref<204800x128xf32, #tpu.memory_space<hbm>> -> memref<128x128xf32, #tpu.memory_space<hbm>>
      tpu.enqueue_dma source(%arg13 : memref<128x128xf32, #tpu.memory_space<vmem>>) target(%dma_start3A_54 : memref<128x128xf32, #tpu.memory_space<hbm>>) target_semaphore(%run_scoped3A : memref<!tpu.dma_semaphore, #tpu.memory_space<semaphore_mem>>)
      %dma_wait3A_55 = arith.constant 0 : i32
      %dma_wait3A_56 = tpu.memref_slice %arg8[%add3A_42, %dma_wait3A_55] : memref<204800x128xf32, #tpu.memory_space<hbm>> -> memref<128x128xf32, #tpu.memory_space<hbm>>
      %dma_wait3A_57 = arith.constant 0 : i32
      %dma_wait3A_58 = tpu.memref_slice %arg8[%add3A_42, %dma_wait3A_57] : memref<204800x128xf32, #tpu.memory_space<hbm>> -> memref<128x128xf32, #tpu.memory_space<hbm>>
      tpu.wait_dma2 semaphore(%run_scoped3A : memref<!tpu.dma_semaphore, #tpu.memory_space<semaphore_mem>>) src(%arg13 : memref<128x128xf32, #tpu.memory_space<vmem>>) dst(%dma_wait3A_58 : memref<128x128xf32, #tpu.memory_space<hbm>>)
      tpu.yield
    }) : () -> ()
    %mul3A_43 = arith.constant 128 : i32
    %mul3A_44 = arith.muli %add3A, %mul3A_43 : i32
    %dma_wait3A_45 = arith.constant 0 : i32
    %dma_wait3A_46 = arith.constant 0 : i32
    %dma_wait3A_47 = tpu.memref_slice %arg4[%dma_wait3A_45, %dma_wait3A_46] : memref<100001x128xf32, #tpu.memory_space<hbm>> -> memref<100001x128xf32, #tpu.memory_space<hbm>>
    tpu.wait_indirect_dma semaphore(%arg24 : memref<!tpu.dma_semaphore, #tpu.memory_space<semaphore_mem>>) src(%dma_wait3A_47 : memref<100001x128xf32, #tpu.memory_space<hbm>>) dst(%arg18 : memref<128x128xf32, #tpu.memory_space<vmem>>)
    "tpu.region"() ({
      %run_scoped3A = tpu.sem_alloc : memref<!tpu.dma_semaphore, #tpu.memory_space<semaphore_mem>>
      %dma_start3A_51 = arith.constant 0 : i32
      %dma_start3A_52 = tpu.memref_slice %arg9[%mul3A_44, %dma_start3A_51] : memref<4096x128xf32, #tpu.memory_space<hbm>> -> memref<128x128xf32, #tpu.memory_space<hbm>>
      %dma_start3A_53 = arith.constant 0 : i32
      %dma_start3A_54 = tpu.memref_slice %arg9[%mul3A_44, %dma_start3A_53] : memref<4096x128xf32, #tpu.memory_space<hbm>> -> memref<128x128xf32, #tpu.memory_space<hbm>>
      tpu.enqueue_dma source(%arg18 : memref<128x128xf32, #tpu.memory_space<vmem>>) target(%dma_start3A_54 : memref<128x128xf32, #tpu.memory_space<hbm>>) target_semaphore(%run_scoped3A : memref<!tpu.dma_semaphore, #tpu.memory_space<semaphore_mem>>)
      %dma_wait3A_55 = arith.constant 0 : i32
      %dma_wait3A_56 = tpu.memref_slice %arg9[%mul3A_44, %dma_wait3A_55] : memref<4096x128xf32, #tpu.memory_space<hbm>> -> memref<128x128xf32, #tpu.memory_space<hbm>>
      %dma_wait3A_57 = arith.constant 0 : i32
      %dma_wait3A_58 = tpu.memref_slice %arg9[%mul3A_44, %dma_wait3A_57] : memref<4096x128xf32, #tpu.memory_space<hbm>> -> memref<128x128xf32, #tpu.memory_space<hbm>>
      tpu.wait_dma2 semaphore(%run_scoped3A : memref<!tpu.dma_semaphore, #tpu.memory_space<semaphore_mem>>) src(%arg18 : memref<128x128xf32, #tpu.memory_space<vmem>>) dst(%dma_wait3A_58 : memref<128x128xf32, #tpu.memory_space<hbm>>)
      tpu.yield
    }) : () -> ()
    %dma_wait3A_48 = arith.constant 0 : i32
    %dma_wait3A_49 = arith.constant 0 : i32
    %dma_wait3A_50 = tpu.memref_slice %arg6[%dma_wait3A_48, %dma_wait3A_49] : memref<9x256xf32, #tpu.memory_space<hbm>> -> memref<9x256xf32, #tpu.memory_space<hbm>>
    tpu.wait_indirect_dma semaphore(%arg25 : memref<!tpu.dma_semaphore, #tpu.memory_space<semaphore_mem>>) src(%dma_wait3A_50 : memref<9x256xf32, #tpu.memory_space<hbm>>) dst(%arg19 : memref<128x256xf32, #tpu.memory_space<vmem>>)
    "tpu.region"() ({
      %run_scoped3A = tpu.sem_alloc : memref<!tpu.dma_semaphore, #tpu.memory_space<semaphore_mem>>
      %dma_start3A_51 = arith.constant 0 : i32
      %dma_start3A_52 = tpu.memref_slice %arg10[%mul3A_44, %dma_start3A_51] : memref<4096x256xf32, #tpu.memory_space<hbm>> -> memref<128x256xf32, #tpu.memory_space<hbm>>
      %dma_start3A_53 = arith.constant 0 : i32
      %dma_start3A_54 = tpu.memref_slice %arg10[%mul3A_44, %dma_start3A_53] : memref<4096x256xf32, #tpu.memory_space<hbm>> -> memref<128x256xf32, #tpu.memory_space<hbm>>
      tpu.enqueue_dma source(%arg19 : memref<128x256xf32, #tpu.memory_space<vmem>>) target(%dma_start3A_54 : memref<128x256xf32, #tpu.memory_space<hbm>>) target_semaphore(%run_scoped3A : memref<!tpu.dma_semaphore, #tpu.memory_space<semaphore_mem>>)
      %dma_wait3A_55 = arith.constant 0 : i32
      %dma_wait3A_56 = tpu.memref_slice %arg10[%mul3A_44, %dma_wait3A_55] : memref<4096x256xf32, #tpu.memory_space<hbm>> -> memref<128x256xf32, #tpu.memory_space<hbm>>
      %dma_wait3A_57 = arith.constant 0 : i32
      %dma_wait3A_58 = tpu.memref_slice %arg10[%mul3A_44, %dma_wait3A_57] : memref<4096x256xf32, #tpu.memory_space<hbm>> -> memref<128x256xf32, #tpu.memory_space<hbm>>
      tpu.wait_dma2 semaphore(%run_scoped3A : memref<!tpu.dma_semaphore, #tpu.memory_space<semaphore_mem>>) src(%arg19 : memref<128x256xf32, #tpu.memory_space<vmem>>) dst(%dma_wait3A_58 : memref<128x256xf32, #tpu.memory_space<hbm>>)
      tpu.yield
    }) : () -> ()
    return
  }
}

module attributes {stable_mosaic.version = 14 : i64} {
  func.func @_tc_mlp_kernel(%arg0: i32, %arg1: memref<50x512x128xf32, #tpu.memory_space<vmem>>, %arg2: memref<512x128xf32, #tpu.memory_space<vmem>>, %arg3: memref<512x256xf32, #tpu.memory_space<vmem>>, %arg4: memref<64x256xf32, #tpu.memory_space<vmem>>, %arg5: memref<64x256xf32, #tpu.memory_space<vmem>>, %arg6: memref<256x128xf32, #tpu.memory_space<vmem>>, %arg7: memref<1x128xf32, #tpu.memory_space<vmem>>, %arg8: memref<1x128xf32, #tpu.memory_space<vmem>>, %arg9: memref<1x128xf32, #tpu.memory_space<vmem>>, %arg10: memref<128x1000xf32, #tpu.memory_space<vmem>>, %arg11: memref<512x1000xf32, #tpu.memory_space<vmem>>) attributes {dimension_semantics = [#tpu.dimension_semantics<arbitrary>], iteration_bounds = array<i64: 8>, scalar_prefetch = 0 : i64, scratch_operands = 0 : i64, tpu.core_type = #tpu.core_type<tc>, window_params = [{transform_indices = @transform_0, window_bounds = array<i64: 50, 512, 128>}, {transform_indices = @transform_1, window_bounds = array<i64: 512, 128>}, {transform_indices = @transform_2, window_bounds = array<i64: 512, 256>}, {pipeline_mode = #tpu.pipeline_mode<synchronous>, transform_indices = @transform_3, window_bounds = array<i64: 64, 256>}, {pipeline_mode = #tpu.pipeline_mode<synchronous>, transform_indices = @transform_4, window_bounds = array<i64: 64, 256>}, {pipeline_mode = #tpu.pipeline_mode<synchronous>, transform_indices = @transform_5, window_bounds = array<i64: 256, 128>}, {pipeline_mode = #tpu.pipeline_mode<synchronous>, transform_indices = @transform_6, window_bounds = array<i64: 1, 128>}, {pipeline_mode = #tpu.pipeline_mode<synchronous>, transform_indices = @transform_7, window_bounds = array<i64: 1, 128>}, {pipeline_mode = #tpu.pipeline_mode<synchronous>, transform_indices = @transform_8, window_bounds = array<i64: 1, 128>}, {pipeline_mode = #tpu.pipeline_mode<synchronous>, transform_indices = @transform_9, window_bounds = array<i64: 128, 1000>}, {transform_indices = @transform_10, window_bounds = array<i64: 512, 1000>}]} {
    %get3A = arith.constant 0 : index
    %get3A_0 = arith.constant 0 : index
    %get3A_1 = arith.constant 0 : index
    %get3A_2 = vector.load %arg1[%get3A, %get3A_0, %get3A_1] : memref<50x512x128xf32, #tpu.memory_space<vmem>>, vector<50x512x128xf32>
    %reduce_sum3A = arith.constant dense<0.000000e+00> : vector<512x128xf32>
    %reduce_sum3A_3 = vector.multi_reduction <add>, %get3A_2, %reduce_sum3A [0] : vector<50x512x128xf32> to vector<512x128xf32>
    %div3A = arith.constant 5.000000e+01 : f32
    %div3A_4 = vector.broadcast %div3A : f32 to vector<512x128xf32>
    %div3A_5 = arith.divf %reduce_sum3A_3, %div3A_4 : vector<512x128xf32>
    %slice3A = vector.extract_strided_slice %div3A_5 {offsets = [0, 0], sizes = [512, 64], strides = [1, 1]} : vector<512x128xf32> to vector<512x64xf32>
    %get3A_6 = arith.constant 0 : index
    %get3A_7 = arith.constant 0 : index
    %get3A_8 = vector.load %arg4[%get3A_6, %get3A_7] : memref<64x256xf32, #tpu.memory_space<vmem>>, vector<64x256xf32>
    %dot_general3A = arith.constant dense<0.000000e+00> : vector<512x256xf32>
    %dot_general3A_9 = tpu.matmul %slice3A, %get3A_8, %dot_general3A {dimension_numbers = #tpu.dot_dimension_numbers<[1], [0], [0], [1], [0, 0, 1, 1], [], []>, transpose_lhs_hint = false} : vector<512x64xf32>, vector<64x256xf32>, vector<512x256xf32> -> vector<512x256xf32>
    %get3A_10 = arith.constant 0 : index
    %get3A_11 = arith.constant 0 : index
    %get3A_12 = vector.load %arg2[%get3A_10, %get3A_11] : memref<512x128xf32, #tpu.memory_space<vmem>>, vector<512x128xf32>
    %slice3A_13 = vector.extract_strided_slice %get3A_12 {offsets = [0, 0], sizes = [512, 64], strides = [1, 1]} : vector<512x128xf32> to vector<512x64xf32>
    %get3A_14 = arith.constant 0 : index
    %get3A_15 = arith.constant 0 : index
    %get3A_16 = vector.load %arg5[%get3A_14, %get3A_15] : memref<64x256xf32, #tpu.memory_space<vmem>>, vector<64x256xf32>
    %dot_general3A_17 = arith.constant dense<0.000000e+00> : vector<512x256xf32>
    %dot_general3A_18 = tpu.matmul %slice3A_13, %get3A_16, %dot_general3A_17 {dimension_numbers = #tpu.dot_dimension_numbers<[1], [0], [0], [1], [0, 0, 1, 1], [], []>, transpose_lhs_hint = false} : vector<512x64xf32>, vector<64x256xf32>, vector<512x256xf32> -> vector<512x256xf32>
    %add3A = arith.addf %dot_general3A_9, %dot_general3A_18 : vector<512x256xf32>
    %get3A_19 = arith.constant 0 : index
    %get3A_20 = arith.constant 0 : index
    %get3A_21 = vector.load %arg3[%get3A_19, %get3A_20] : memref<512x256xf32, #tpu.memory_space<vmem>>, vector<512x256xf32>
    %add3A_22 = arith.addf %add3A, %get3A_21 : vector<512x256xf32>
    %max3A = arith.constant 0.000000e+00 : f32
    %max3A_23 = vector.broadcast %max3A : f32 to vector<512x256xf32>
    %max3A_24 = arith.maximumf %add3A_22, %max3A_23 : vector<512x256xf32>
    %get3A_25 = arith.constant 0 : index
    %get3A_26 = arith.constant 0 : index
    %get3A_27 = vector.load %arg6[%get3A_25, %get3A_26] : memref<256x128xf32, #tpu.memory_space<vmem>>, vector<256x128xf32>
    %dot_general3A_28 = arith.constant dense<0.000000e+00> : vector<512x128xf32>
    %dot_general3A_29 = tpu.matmul %max3A_24, %get3A_27, %dot_general3A_28 {dimension_numbers = #tpu.dot_dimension_numbers<[1], [0], [0], [1], [0, 0, 1, 1], [], []>, transpose_lhs_hint = false} : vector<512x256xf32>, vector<256x128xf32>, vector<512x128xf32> -> vector<512x128xf32>
    %get3A_30 = arith.constant 0 : index
    %get3A_31 = arith.constant 0 : index
    %get3A_32 = vector.load %arg7[%get3A_30, %get3A_31] : memref<1x128xf32, #tpu.memory_space<vmem>>, vector<1x128xf32>
    %add3A_33 = vector.broadcast %get3A_32 : vector<1x128xf32> to vector<512x128xf32>
    %add3A_34 = arith.addf %dot_general3A_29, %add3A_33 : vector<512x128xf32>
    %max3A_35 = arith.constant 0.000000e+00 : f32
    %max3A_36 = vector.broadcast %max3A_35 : f32 to vector<512x128xf32>
    %max3A_37 = arith.maximumf %add3A_34, %max3A_36 : vector<512x128xf32>
    %reduce_sum3A_38 = arith.constant dense<0.000000e+00> : vector<512xf32>
    %reduce_sum3A_39 = vector.multi_reduction <add>, %max3A_37, %reduce_sum3A_38 [1] : vector<512x128xf32> to vector<512xf32>
    %broadcast_in_dim3A = vector.shape_cast %reduce_sum3A_39 : vector<512xf32> to vector<512x1xf32>
    %div3A_40 = arith.constant 1.280000e+02 : f32
    %div3A_41 = vector.broadcast %div3A_40 : f32 to vector<512x1xf32>
    %div3A_42 = arith.divf %broadcast_in_dim3A, %div3A_41 : vector<512x1xf32>
    %sub3A = vector.broadcast %div3A_42 : vector<512x1xf32> to vector<512x128xf32>
    %sub3A_43 = arith.subf %max3A_37, %sub3A : vector<512x128xf32>
    %mul3A = arith.mulf %sub3A_43, %sub3A_43 : vector<512x128xf32>
    %reduce_sum3A_44 = arith.constant dense<0.000000e+00> : vector<512xf32>
    %reduce_sum3A_45 = vector.multi_reduction <add>, %mul3A, %reduce_sum3A_44 [1] : vector<512x128xf32> to vector<512xf32>
    %broadcast_in_dim3A_46 = vector.shape_cast %reduce_sum3A_45 : vector<512xf32> to vector<512x1xf32>
    %div3A_47 = arith.constant 1.280000e+02 : f32
    %div3A_48 = vector.broadcast %div3A_47 : f32 to vector<512x1xf32>
    %div3A_49 = arith.divf %broadcast_in_dim3A_46, %div3A_48 : vector<512x1xf32>
    %add3A_50 = arith.constant 1.000000e-03 : f32
    %add3A_51 = vector.broadcast %add3A_50 : f32 to vector<512x1xf32>
    %add3A_52 = arith.addf %div3A_49, %add3A_51 : vector<512x1xf32>
    %rsqrt3A = math.rsqrt %add3A_52 : vector<512x1xf32>
    %mul3A_53 = vector.broadcast %rsqrt3A : vector<512x1xf32> to vector<512x128xf32>
    %mul3A_54 = arith.mulf %sub3A_43, %mul3A_53 : vector<512x128xf32>
    %get3A_55 = arith.constant 0 : index
    %get3A_56 = arith.constant 0 : index
    %get3A_57 = vector.load %arg8[%get3A_55, %get3A_56] : memref<1x128xf32, #tpu.memory_space<vmem>>, vector<1x128xf32>
    %mul3A_58 = vector.broadcast %get3A_57 : vector<1x128xf32> to vector<512x128xf32>
    %mul3A_59 = arith.mulf %mul3A_54, %mul3A_58 : vector<512x128xf32>
    %get3A_60 = arith.constant 0 : index
    %get3A_61 = arith.constant 0 : index
    %get3A_62 = vector.load %arg9[%get3A_60, %get3A_61] : memref<1x128xf32, #tpu.memory_space<vmem>>, vector<1x128xf32>
    %add3A_63 = vector.broadcast %get3A_62 : vector<1x128xf32> to vector<512x128xf32>
    %add3A_64 = arith.addf %mul3A_59, %add3A_63 : vector<512x128xf32>
    %get3A_65 = arith.constant 0 : index
    %get3A_66 = arith.constant 0 : index
    %get3A_67 = vector.load %arg10[%get3A_65, %get3A_66] : memref<128x1000xf32, #tpu.memory_space<vmem>>, vector<128x1000xf32>
    %dot_general3A_68 = arith.constant dense<0.000000e+00> : vector<512x1000xf32>
    %dot_general3A_69 = tpu.matmul %add3A_64, %get3A_67, %dot_general3A_68 {dimension_numbers = #tpu.dot_dimension_numbers<[1], [0], [0], [1], [0, 0, 1, 1], [], []>, transpose_lhs_hint = false} : vector<512x128xf32>, vector<128x1000xf32>, vector<512x1000xf32> -> vector<512x1000xf32>
    %swap3A = arith.constant 0 : index
    %swap3A_70 = arith.constant 0 : index
    %swap3A_71 = vector.load %arg11[%swap3A, %swap3A_70] : memref<512x1000xf32, #tpu.memory_space<vmem>>, vector<512x1000xf32>
    tpu.vector_store %arg11[%swap3A, %swap3A_70], %dot_general3A_69 {strides = array<i32>} : memref<512x1000xf32, #tpu.memory_space<vmem>>, vector<512x1000xf32>,
    return
  }
  func.func @transform_0(%arg0: i32) -> (i32, i32, i32) {
    %c0_i32 = arith.constant 0 : i32
    %c0_i32_0 = arith.constant 0 : i32
    %c0_i32_1 = arith.constant 0 : i32
    return %c0_i32, %arg0, %c0_i32_0 : i32, i32, i32
  }
  func.func @transform_1(%arg0: i32) -> (i32, i32) {
    %c0_i32 = arith.constant 0 : i32
    %c0_i32_0 = arith.constant 0 : i32
    return %arg0, %c0_i32 : i32, i32
  }
  func.func @transform_2(%arg0: i32) -> (i32, i32) {
    %c0_i32 = arith.constant 0 : i32
    %c0_i32_0 = arith.constant 0 : i32
    return %arg0, %c0_i32 : i32, i32
  }
  func.func @transform_3(%arg0: i32) -> (i32, i32) {
    %c0_i32 = arith.constant 0 : i32
    %c0_i32_0 = arith.constant 0 : i32
    %c0_i32_1 = arith.constant 0 : i32
    return %c0_i32, %c0_i32_0 : i32, i32
  }
  func.func @transform_4(%arg0: i32) -> (i32, i32) {
    %c0_i32 = arith.constant 0 : i32
    %c0_i32_0 = arith.constant 0 : i32
    %c0_i32_1 = arith.constant 0 : i32
    return %c0_i32, %c0_i32_0 : i32, i32
  }
  func.func @transform_5(%arg0: i32) -> (i32, i32) {
    %c0_i32 = arith.constant 0 : i32
    %c0_i32_0 = arith.constant 0 : i32
    %c0_i32_1 = arith.constant 0 : i32
    return %c0_i32, %c0_i32_0 : i32, i32
  }
  func.func @transform_6(%arg0: i32) -> (i32, i32) {
    %c0_i32 = arith.constant 0 : i32
    %c0_i32_0 = arith.constant 0 : i32
    %c0_i32_1 = arith.constant 0 : i32
    return %c0_i32, %c0_i32_0 : i32, i32
  }
  func.func @transform_7(%arg0: i32) -> (i32, i32) {
    %c0_i32 = arith.constant 0 : i32
    %c0_i32_0 = arith.constant 0 : i32
    %c0_i32_1 = arith.constant 0 : i32
    return %c0_i32, %c0_i32_0 : i32, i32
  }
  func.func @transform_8(%arg0: i32) -> (i32, i32) {
    %c0_i32 = arith.constant 0 : i32
    %c0_i32_0 = arith.constant 0 : i32
    %c0_i32_1 = arith.constant 0 : i32
    return %c0_i32, %c0_i32_0 : i32, i32
  }
  func.func @transform_9(%arg0: i32) -> (i32, i32) {
    %c0_i32 = arith.constant 0 : i32
    %c0_i32_0 = arith.constant 0 : i32
    %c0_i32_1 = arith.constant 0 : i32
    return %c0_i32, %c0_i32_0 : i32, i32
  }
  func.func @transform_10(%arg0: i32) -> (i32, i32) {
    %c0_i32 = arith.constant 0 : i32
    %c0_i32_0 = arith.constant 0 : i32
    return %arg0, %c0_i32 : i32, i32
  }
}

</mosaic_0001>

<sc_bundles>
// kernel: kernel.4.cloned.1.call-start
scs
__scs_entry_jumppad:
0x0: {  	(pc) =	sbr.rel $0x88, $3  }
0x1: {  	(tag) =	ssettag $0x0;
	lr =	simm.s32 $0x1  }
0x2: {  	[smem:$0x3F95] =	sst lr;
	_ =	strace $0xD0000000  }
0x3: {  	_ = 	snop  }
0x4: {  	_ = 	snop  }
0x5: {  	_ = 	snop  }
0x6: {  	_ = 	snop  }
0x7: {  	_ = 	snop  }
__scs_overlays_trampoline_lowered:
0x8: {  	[smem:$0x3FA4] =	sst s0  }
0x9: {  	[smem:$0x3FA5] =	sst s1  }
0xa: {  	[smem:$0x3FA6] =	sst s2  }
0xb: {  	[smem:$0x3FA7] =	sst s3  }
0xc: {  	[smem:$0x3FA8] =	sst s4  }
0xd: {  	[smem:$0x3FA9] =	sst s5  }
0xe: {  	[smem:$0x3FAA] =	sst s6  }
0xf: {  	[smem:$0x3FAB] =	sst s7  }
0x10: {  	[smem:$0x3FAC] =	sst s8  }
0x11: {  	[smem:$0x3FAD] =	sst s9;
	s0 =	simm.s32 @!p0 $0x0  }
0x12: {  	s1 =	sld [smem:$0x3F93];
	s0 =	simm.s32 @p0 $0x1  }
0x13: {  	[smem:$0x3FAE] =	sst s0;
	s0 =	simm.s32 @!p1 $0x0  }
0x14: {  	s2 =	sld [smem:$0x3F92];
	s0 =	simm.s32 @p1 $0x1  }
0x15: {  	[smem:$0x3FAF] =	sst s0;
	s0 =	simm.s32 @!p2 $0x0  }
0x16: {  	s3 =	sld [smem:$0x3FDB];
	s0 =	simm.s32 @p2 $0x1  }
0x17: {  	s4 =	simm.s32 $0x1BF5;
	[smem:$0x3FB1] =	sst s0  }
0x18: {  	s0 =	sld [smem:$0x3F94];
	_ =	swait.ge [sflag:s4], $0x0  }
0x19: {  	s7 =	sld [smem:$0x3F95]  }
0x1a: {  	s8 =	sadd.s32 $0xFFFFE003, lr  }
0x1b: {  	s9 =	sadd.s32 $0xFFFFFEF7, lr;
	s5 =	simm.s32 $0xFFFFFFFF;
	p2 =	slt.u32 s8, $0xFFFFF086  }
0x1c: {  	p1 =	slt.u32 s9, $0xF7A;
	s5 =	simm.s32 @!p2 $0x0  }
0x1d: {  	s5 =	simm.s32 @p1 $0x1;
	p0 =	seq.s32 s7, s2  }
0x1e: {  	s7 =	smul.u32 @!p0 $0xF7A, s2;
	p2 =	seq.s32 @!p0 s5, $0x0  }
0x1f: {  	s9 =	smul.u32 $0xF7A, s1;
	s8 =	simm.s32 @!p0 $0x1BF5;
	p2 =	por !p2, p0  }
0x20: {  	[sflag:s8] =	ssyncset.s32 @!p0 $0xFFFFF086;
	s6 =	sadd.s32 @!p0 s3, s7;
	s7 =	simm.s32 @!p0 $0x108  }
0x21: {  	s3 =	sadd.s32 s3, s9;
	s6 =	sadd.s32 @!p0 $0x88, s6;
	s7 =	simm.s32 @p2 $0x1082  }
0x22: {  	[simem:s7], [sflag:s8] =	dma.local @!p0 [hbm:s6], $0xF7A  }
0x23: {  	s9 =	sor.u32 $0xD0000000, s2;
	s6 =	simm.s32 $0x108;
	_ =	swait.ge @!p0 [sflag:s8], $0x0  }
0x24: {  	s3 =	sadd.s32 $0x88, s3;
	s6 =	simm.s32 @!p1 $0x1082;
	[sflag:s4] =	ssyncset.s32 $0xFFFFF086  }
0x25: {  	[simem:s6], [sflag:s4] =	dma.local [hbm:s3], $0xF7A  }
0x26: {  	[smem:$0x3F95] =	sst s1;
	(tag) =	ssettag s2;
	_ =	strace s9  }
0x27: {  	s1 =	sld [smem:$0x3FA5]  }
0x28: {  	s2 =	sld [smem:$0x3FA6]  }
0x29: {  	s4 =	sld [smem:$0x3FA8]  }
0x2a: {  	p0 =	seq.s32 s5, $0x0;
	s5 =	sld [smem:$0x3FA9]  }
0x2b: {  	s6 =	sld [smem:$0x3FAA]  }
0x2c: {  	s7 =	sld [smem:$0x3FAB]  }
0x2d: {  	s3 =	simm.s32 $0x108;
	s8 =	sld [smem:$0x3FAC]  }
0x2e: {  	s3 =	simm.s32 @!p0 $0x1082;
	s9 =	sld [smem:$0x3FAD]  }
0x2f: {  	lr =	sadd.s32 s0, s3;
	s0 =	sld [smem:$0x3FA4]  }
0x30: {  	s3 =	sld [smem:$0x3FA7]  }
0x31: {  	[smem:$0x3FB0] =	sst s10  }
0x32: {  	s10 =	sld [smem:$0x3FAE];
	_ =	sdelay $0x3  }
0x33: {  	p0 =	seq.s32 s10, $0x1;
	s10 =	sld [smem:$0x3FB0];
	_ =	sdelay $0x3  }
0x34: {  	[smem:$0x3FB0] =	sst s10  }
0x35: {  	s10 =	sld [smem:$0x3FAF];
	_ =	sdelay $0x3  }
0x36: {  	p1 =	seq.s32 s10, $0x1;
	s10 =	sld [smem:$0x3FB0];
	_ =	sdelay $0x3  }
0x37: {  	[smem:$0x3FB0] =	sst s10  }
0x38: {  	s10 =	sld [smem:$0x3FB1]  }
0x39: {  	_ = 	snop;
	(pc) =	sbr.ind lr, $3  }
0x3a: {  	_ = 	snop  }
0x3b: {  	_ = 	snop  }
0x3c: {  	p2 =	seq.s32 s10, $0x1;
	s10 =	sld [smem:$0x3FB0]  }
0x3d: {  	_ =	shalt  }
0x3e: {  	_ =	shalt  }
0x3f: {  	_ =	shalt  }
0x40: {  	_ =	shalt  }
0x41: {  	_ =	shalt  }
0x42: {  	_ =	shalt  }
0x43: {  	_ =	shalt  }
0x44: {  	_ =	shalt  }
0x45: {  	_ =	shalt  }
0x46: {  	_ =	shalt  }
0x47: {  	_ =	shalt  }
0x48: {  	_ =	shalt  }
0x49: {  	_ =	shalt  }
0x4a: {  	_ =	shalt  }
0x4b: {  	_ =	shalt  }
0x4c: {  	_ =	shalt  }
0x4d: {  	_ =	shalt  }
0x4e: {  	_ =	shalt  }
0x4f: {  	_ =	shalt  }
0x50: {  	_ =	shalt  }
0x51: {  	_ =	shalt  }
0x52: {  	_ =	shalt  }
0x53: {  	_ =	shalt  }
0x54: {  	_ =	shalt  }
0x55: {  	_ =	shalt  }
0x56: {  	_ =	shalt  }
0x57: {  	_ =	shalt  }
0x58: {  	_ =	shalt  }
0x59: {  	_ =	shalt  }
0x5a: {  	_ =	shalt  }
0x5b: {  	_ =	shalt  }
0x5c: {  	_ =	shalt  }
0x5d: {  	_ =	shalt  }
0x5e: {  	_ =	shalt  }
0x5f: {  	_ =	shalt  }
0x60: {  	_ =	shalt  }
0x61: {  	_ =	shalt  }
0x62: {  	_ =	shalt  }
0x63: {  	_ =	shalt  }
0x64: {  	_ =	shalt  }
0x65: {  	_ =	shalt  }
0x66: {  	_ =	shalt  }
0x67: {  	_ =	shalt  }
0x68: {  	_ =	shalt  }
0x69: {  	_ =	shalt  }
0x6a: {  	_ =	shalt  }
0x6b: {  	_ =	shalt  }
0x6c: {  	_ =	shalt  }
0x6d: {  	_ =	shalt  }
0x6e: {  	_ =	shalt  }
0x6f: {  	_ =	shalt  }
0x70: {  	_ =	shalt  }
0x71: {  	_ =	shalt  }
0x72: {  	_ =	shalt  }
0x73: {  	_ =	shalt  }
0x74: {  	_ =	shalt  }
0x75: {  	_ =	shalt  }
0x76: {  	_ =	shalt  }
0x77: {  	_ =	shalt  }
0x78: {  	_ =	shalt  }
0x79: {  	_ =	shalt  }
0x7a: {  	_ =	shalt  }
0x7b: {  	_ =	shalt  }
0x7c: {  	_ =	shalt  }
0x7d: {  	_ =	shalt  }
0x7e: {  	_ =	shalt  }
0x7f: {  	_ =	shalt  }
0x80: {  	_ =	shalt  }
0x81: {  	_ =	shalt  }
0x82: {  	_ =	shalt  }
0x83: {  	_ =	shalt  }
0x84: {  	_ =	shalt  }
0x85: {  	_ =	shalt  }
0x86: {  	_ =	shalt  }
0x87: {  	_ =	shalt  }
.Lfunc_end0:
.L_simem_size_0:
called_computation_lowered:
.L_overlay_start_0:
0x88: {  	s2 =	sld [smem:$0x3FD9]  }
0x89: {  	s3 =	sld [smem:$0x3FFE];
	_ =	sdelay $0x1  }
0x8a: {  	s1 =	srdreg.scid  }
0x8b: {  	s0 =	sand.u32 $0x1, s1  }
0x8c: {  	s17 =	sshll.u32 s0, $0xA;
	s2 =	sadd.s32 s3, s2  }
0x8d: {  	s2 =	sadd.s32 s2, s17  }
0x8e: {  	[smem:$0x3FBC] =	sst s2  }
0x8f: {  	_ = 	snop  }
0x90: {  	s2 =	sld [smem:$0x3FC8]  }
0x91: {  	s18 =	sld [smem:$0x3FC7]  }
0x92: {  	s4 =	sld [smem:$0x3FD0];
	(tm) =	ssettm $0x1  }
0x93: {  	s5 =	sld [smem:$0x3FFB];
	_ =	sdelay $0x3  }
0x94: {  	_ =	strace s5  }
0x95: {  	s5 =	sld [smem:$0x3FFC];
	_ =	sdelay $0x3  }
0x96: {  	_ =	strace s5  }
0x97: {  	s5 =	sld [smem:$0x3FFD];
	_ =	sdelay $0x3  }
0x98: {  	_ =	strace s5  }
0x99: {  	_ =	strace $0x8FFFFFFF  }
0x9a: {  	s19 =	sld [smem:$0x3FDB];
	_ =	sdelay $0x1  }
0x9b: {  	s6 =	simm.s32 $_scs_section_size  }
0x9c: {  	s7 =	simm.s32 $_size__tile_overlayer_lowered;
	s8 =	simm.s32 $_tile_overlayer_lowered  }
0x9d: {  	s22 =	simm.s32 $0x1BFF;
	s21 =	sshll.u32 s8, $0x1;
	s5 =	sadd.s32 s6, s19  }
0x9e: {  	s9 =	simm.s32 $0x0;
	s20 =	sshll.u32 s7, $0x1;
	s7 =	sadd.s32 s21, s5  }
0x9f: {  	[timem:s9], [sflag:s22] =	dma.local [hbm:s7], s20  }
0xa0: {  	_ =	swait.ge [sflag:s22], s20  }
0xa1: {  	s6 =	ssub.s32 $0x0, s20;
	[sflag:s22] =	ssyncset.done $0x0  }
0xa2: {  	[sflag:s22] =	ssyncadd.s32 s6;
	_ =	sdelay $0x1  }
0xa3: {  	s23 =	simm.s32 $0x1B8B  }
0xa4: {  	_ =	swait.ge [sflag:s23], $0x1  }
0xa5: {  	[sflag:s23] =	ssyncset.done $0x0  }
0xa6: {  	s25 =	simm.s32 $0x1B8E;
	s24 =	sld [smem:$0x3FFE];
	[sflag:s23] =	ssyncadd.s32 $0xFFFFFFFF  }
0xa7: {  	s26 =	simm.s32 $execute0_lowered;
	[smem:$0x3FD2] =	sst s25  }
0xa8: {  	s7 =	sshll.u32 s26, $0x1;
	_ =	strace $0x80000046;
	[dreg:$0x1] =	wrdreg $0xFFFFFFFF  }
0xa9: {  	s28 =	simm.s32 $_size_execute0_lowered;
	s5 =	sadd.s32 s5, s7;
	[dreg:$0x0] =	wrdreg $0x0  }
0xaa: {  	s7 =	sshll.u32 s28, $0x1;
	[dreg:$0x2] =	wrdreg s5  }
0xab: {  	[dreg:$0x3] =	wrdreg s7  }
0xac: {  	[dreg:$0x4] =	wrdreg $0xC0  }
0xad: {  	_ =	task [dreg:s9], $0x5FFFF  }
0xae: {  	[dreg:$0x1] =	wrdreg $0xFFFFFFFF  }
0xaf: {  	[dreg:$0x0] =	wrdreg $0x60  }
0xb0: {  	[dreg:$0x2] =	wrdreg s24  }
0xb1: {  	[dreg:$0x3] =	wrdreg s18  }
0xb2: {  	[dreg:$0x4] =	wrdreg s2  }
0xb3: {  	[dreg:$0x5] =	wrdreg s4  }
0xb4: {  	[dreg:$0x6] =	wrdreg $0x9  }
0xb5: {  	_ =	task.clear_ibuf [dreg:s9], $0x7FFFF;
	_ =	strace $0x90000046  }
0xb6: {  	s29 =	simm.s32 $0x9;
	_ =	strace $0x80000048  }
0xb7: {  	_ =	swait.ge [sflag:s29], $0x1  }
0xb8: {  	[sflag:s29] =	ssyncadd.s32 $0xFFFFFFFF  }
0xb9: {  	_ =	strace $0x90000048  }
0xba: {  	_ =	sfence  }
0xbb: {  	s30 =	sld [smem:$0x0];
	_ =	sdelay $0x2  }
0xbc: {  	s31 =	sshll.u32 s1, $0xD;
	s1 =	sshrl.u32 s1, $0x2  }
0xbd: {  	s3 =	sand.u32 $0x4000, s31;
	s1 =	sadd.s32 s1, s30  }
0xbe: {  	s0 =	sor.u32 s3, s0;
	s1 =	sshll.u32 s1, $0x11  }
0xbf: {  	s0 =	sor.u32 s1, s0  }
0xc0: {  	s0 =	sadd.s32 $0x8F2B, s0  }
0xc1: {  	[sflag:s0] =	ssyncadd.remote.s32 $0x1  }
0xc2: {  	_ =	sfence.sel $0xFFFF  }
0xc3: {  	[dreg:$0x0] =	wrdreg $0xFFFFFFFF;
	(pc) =	sbr.abs _section_cstart, $3  }
0xc4: {  	[dreg:$0x1] =	wrdreg $0xFFFFFFFF  }
0xc5: {  	_ =	task.clear_ibuf [dreg:s9], $0x2FFFF;
	_ =	strace $0x9FFFFFFF  }
0xc6: {  	(tm) =	ssettm $0x7FFFFFFF  }
0xc7: {  	_ =	shalt  }
tec
execute0_lowered:
.L_overlay_start_1:
0x0: {  	(tag) =	ssettag $0x1  }
0x1: {  	s0 =	rddreg [dreg:$0x0]  }
0x2: {  	s1 =	rddreg [dreg:$0x1]  }
0x3: {  	s4 =	rddreg [dreg:$0x2];
	s2 =	srdreg.scid  }
0x4: {  	s17 =	stileid.u32;
	s12 =	rddreg [dreg:$0x3];
	s28 =	simm.s32 $0x9C00  }
0x5: {  	s29 =	simm.s32 $0xDC00;
	s30 =	simm.s32 $0x1;
	s31 =	simm.s32 $0x2  }
0x6: {  	s13 =	sand.u32 $0x1, s2;
	s3 =	sshll.u32 s17, $0x1;
	s20 =	smul.u32 $0x190000, s17  }
0x7: {  	s2 =	simm.s32 $0x0;
	s10 =	sadd.s32 $0x311200, s0;
	s23 =	smul.u32 $0x32000, s17  }
0x8: {  	s15 =	sadd.s32 $0x497E00, s0;
	s17 =	simm.s32 $0x7;
	s21 =	smul.u32 $0xC8000, s13  }
0x9: {  	s14 =	sor.u32 s13, s3;
	[smem:$0x7FF] =	sst s2;
	s25 =	smul.u32 $0x19000, s13  }
0xa: {  	s3 =	sadd.s32 $0x18A600, s0;
	s6 =	ssub.s32 $0x2, s13;
	s5 =	smul.u32 $0x380, s14  }
0xb: {  	_ =	strace $0x80000047;
	[dreg:$0x5] =	wrdreg s10;
	s7 =	sshll.u32 s14, $0xB  }
0xc: {  	s9 =	sshrl.u32 s6, $0x1;
	s10 =	smul.u32 $0xC8000, s14;
	s11 =	sshll.u32 s14, $0x4  }
0xd: {  	s22 =	sshll.u32 s14, $0xC;
	s26 =	sadd.s32 s23, s15;
	s23 =	simm.s32 $0x5  }
0xe: {  	s16 =	ssub.s32 s6, s9;
	s1 =	sadd.s32 s1, s11;
	s18 =	sadd.s32 s4, s11  }
0xf: {  	s12 =	sadd.s32 s12, s22;
	s24 =	sadd.s32 s21, s20;
	s20 =	simm.s32 $0x11D00  }
0x10: {  	s21 =	simm.s32 $0x15D00;
	s8 =	sadd.s32 s5, s0;
	[dreg:$0x6] =	wrdreg s1  }
0x11: {  	s5 =	sadd.s32 $0xAA00, s0;
	s0 =	sadd.s32 s7, s0;
	[dreg:$0x7] =	wrdreg s18  }
0x12: {  	s19 =	sshrl.u32 s10, $0x3;
	s13 =	smax.u32 s16, $0x1;
	s16 =	simm.s32 $0x11C00  }
0x13: {  	s18 =	simm.s32 $0x0;
	s8 =	sadd.s32 $0x3A00, s8;
	s1 =	sadd.s32 s15, s19  }
0x14: {  	s11 =	sadd.s32 $0xAC00, s0;
	s0 =	sshrl.u32 s24, $0x3;
	s19 =	simm.s32 $0x80  }
0x15: {  	v2 =	vlaneseq.u32;
	s24 =	simm.s32 $0x6;
	s9 =	sadd.s32 $0x18000, s1;
	s10 =	sadd.s32 $0x18800, s1  }
0x16: {  	vm0 =	vmmov $0xffff;
	v1 =	vshrl.u32 v2, $0x3;
	s14 =	sadd.s32 s0, s15;
	s15 =	sadd.s32 s25, s26;
	s25 =	simm.s32 $0x1C00  }
0x17: {  	v0 =	vand.u32 $0x7, v2;
	v2 =	vor.u32 $0x8, v2;
	v1 =	vmul.u32 $0x8, v1;
	s26 =	simm.s32 $0x5C00;
	s1 =	simm.s32 $0x3;
	s0 =	simm.s32 $0x4  }
.LBB2_1:
0x18: {  	s4 =	rddreg [dreg:$0x6]  }
0x19: {  	[tilespmem:s16], [sflag:$0x7] =	stream.linear.gather [hbm4b:s4+s2], $0x80, $0x38;
	[tilespmem:$0x1DD00] =	vst v63  }
0x1a: {  	_ =	swait.ge [sflag:s17], $0x80  }
0x1b: {  	[sflag:s17] =	ssyncset.done $0x0  }
0x1c: {  	s6 =	simm.s32 $0x11C80;
	s22 =	rddreg [dreg:$0x7];
	[sflag:s17] =	ssyncadd.s32 $0xFFFFFF80  }
0x1d: {  	[tilespmem:s6], [sflag:$0x7] =	stream.linear.gather [hbm4b:s22+s2], $0x80, $0x38;
	[tilespmem:$0x1DD00] =	vst v63  }
0x1e: {  	_ =	swait.ge [sflag:s17], $0x80  }
0x1f: {  	[sflag:s17] =	ssyncset.done $0x0  }
0x20: {  	s7 =	rddreg [dreg:$0x5];
	[sflag:s17] =	ssyncadd.s32 $0xFFFFFF80  }
0x21: {  	[tilespmem:s20], [sflag:$0x5] =	stream.indirect.gather [hbm4b:s7+s19], $0x80, s16, s19, $0xb8;
	[tilespmem:$0x1DD00] =	vst v63  }
0x22: {  	v3 =	vld [tilespmem:$0x11C80];
	_ =	sdelay $0x4  }
0x23: {  	v4 =	vshll.u32 v3, $0x1  }
0x24: {  	v3 =	vand.u32 $0x7, v3;
	v4 =	vand.u32 $0xFFFFFFF0, v4  }
0x25: {  	v3 =	vor.u32 v3, v4  }
0x26: {  	v4 =	vperm.xlane v3, v0;
	_ =	sdelay $0x1  }
0x27: {  	v3 =	vperm.xlane v3, v2;
	v4 =	vadd.s32 v1, v4;
	_ =	sdelay $0x1  }
0x28: {  	v3 =	vadd.s32 v1, v3;
	_ =	sdelay $0x2  }
0x29: {  	[tilespmem:s21], [sflag:$0x6] =	stream.indirect_vreg.gather [hbm4b:s5+s2], $0x80, v4, vm0, $0xb8;
	[tilespmem:$0x1DD00] =	vst v63  }
0x2a: {  	s22 =	simm.s32 $0x16500  }
0x2b: {  	[tilespmem:s22], [sflag:$0x6] =	stream.indirect_vreg.gather [hbm4b:s5+s2], $0x80, v3, vm0, $0xb8;
	[tilespmem:$0x1DD00] =	vst v63  }
0x2c: {  	v3 =	vld [tilespmem:$0x11C90];
	_ =	sdelay $0x4  }
0x2d: {  	v57 =	vshll.u32 v3, $0x1  }
0x2e: {  	v3 =	vand.u32 $0x7, v3;
	v4 =	vand.u32 $0xFFFFFFF0, v57  }
0x2f: {  	v3 =	vor.u32 v3, v4  }
0x30: {  	v4 =	vperm.xlane v3, v0;
	_ =	sdelay $0x1  }
0x31: {  	v3 =	vperm.xlane v3, v2;
	v4 =	vadd.s32 v1, v4;
	_ =	sdelay $0x1  }
0x32: {  	v3 =	vadd.s32 v1, v3;
	_ =	sdelay $0x1  }
0x33: {  	s6 =	simm.s32 $0x16D00  }
0x34: {  	[tilespmem:s6], [sflag:$0x6] =	stream.indirect_vreg.gather [hbm4b:s5+s2], $0x80, v4, vm0, $0xb8;
	[tilespmem:$0x1DD00] =	vst v63  }
0x35: {  	s7 =	simm.s32 $0x17500  }
0x36: {  	[tilespmem:s7], [sflag:$0x6] =	stream.indirect_vreg.gather [hbm4b:s5+s2], $0x80, v3, vm0, $0xb8;
	[tilespmem:$0x1DD00] =	vst v63  }
0x37: {  	v3 =	vld [tilespmem:$0x11CA0];
	_ =	sdelay $0x4  }
0x38: {  	v58 =	vshll.u32 v3, $0x1  }
0x39: {  	v3 =	vand.u32 $0x7, v3;
	v4 =	vand.u32 $0xFFFFFFF0, v58  }
0x3a: {  	v3 =	vor.u32 v3, v4  }
0x3b: {  	v4 =	vperm.xlane v3, v0;
	_ =	sdelay $0x1  }
0x3c: {  	v3 =	vperm.xlane v3, v2;
	v4 =	vadd.s32 v1, v4;
	_ =	sdelay $0x1  }
0x3d: {  	v3 =	vadd.s32 v1, v3;
	_ =	sdelay $0x1  }
0x3e: {  	s22 =	simm.s32 $0x17D00  }
0x3f: {  	[tilespmem:s22], [sflag:$0x6] =	stream.indirect_vreg.gather [hbm4b:s5+s2], $0x80, v4, vm0, $0xb8;
	[tilespmem:$0x1DD00] =	vst v63  }
0x40: {  	s6 =	simm.s32 $0x18500  }
0x41: {  	[tilespmem:s6], [sflag:$0x6] =	stream.indirect_vreg.gather [hbm4b:s5+s2], $0x80, v3, vm0, $0xb8;
	[tilespmem:$0x1DD00] =	vst v63  }
0x42: {  	v3 =	vld [tilespmem:$0x11CB0];
	_ =	sdelay $0x4  }
0x43: {  	v59 =	vshll.u32 v3, $0x1  }
0x44: {  	v3 =	vand.u32 $0x7, v3;
	v4 =	vand.u32 $0xFFFFFFF0, v59  }
0x45: {  	v3 =	vor.u32 v3, v4  }
0x46: {  	v4 =	vperm.xlane v3, v0;
	_ =	sdelay $0x1  }
0x47: {  	v3 =	vperm.xlane v3, v2;
	v4 =	vadd.s32 v1, v4;
	_ =	sdelay $0x1  }
0x48: {  	v3 =	vadd.s32 v1, v3;
	_ =	sdelay $0x1  }
0x49: {  	s7 =	simm.s32 $0x18D00  }
0x4a: {  	[tilespmem:s7], [sflag:$0x6] =	stream.indirect_vreg.gather [hbm4b:s5+s2], $0x80, v4, vm0, $0xb8;
	[tilespmem:$0x1DD00] =	vst v63  }
0x4b: {  	s22 =	simm.s32 $0x19500  }
0x4c: {  	[tilespmem:s22], [sflag:$0x6] =	stream.indirect_vreg.gather [hbm4b:s5+s2], $0x80, v3, vm0, $0xb8;
	[tilespmem:$0x1DD00] =	vst v63  }
0x4d: {  	v3 =	vld [tilespmem:$0x11CC0];
	_ =	sdelay $0x4  }
0x4e: {  	v60 =	vshll.u32 v3, $0x1  }
0x4f: {  	v3 =	vand.u32 $0x7, v3;
	v4 =	vand.u32 $0xFFFFFFF0, v60  }
0x50: {  	v3 =	vor.u32 v3, v4  }
0x51: {  	v4 =	vperm.xlane v3, v0;
	_ =	sdelay $0x1  }
0x52: {  	v3 =	vperm.xlane v3, v2;
	v4 =	vadd.s32 v1, v4;
	_ =	sdelay $0x1  }
0x53: {  	v3 =	vadd.s32 v1, v3;
	_ =	sdelay $0x1  }
0x54: {  	s6 =	simm.s32 $0x19D00  }
0x55: {  	[tilespmem:s6], [sflag:$0x6] =	stream.indirect_vreg.gather [hbm4b:s5+s2], $0x80, v4, vm0, $0xb8;
	[tilespmem:$0x1DD00] =	vst v63  }
0x56: {  	s7 =	simm.s32 $0x1A500  }
0x57: {  	[tilespmem:s7], [sflag:$0x6] =	stream.indirect_vreg.gather [hbm4b:s5+s2], $0x80, v3, vm0, $0xb8;
	[tilespmem:$0x1DD00] =	vst v63  }
0x58: {  	v3 =	vld [tilespmem:$0x11CD0];
	_ =	sdelay $0x4  }
0x59: {  	v61 =	vshll.u32 v3, $0x1  }
0x5a: {  	v3 =	vand.u32 $0x7, v3;
	v4 =	vand.u32 $0xFFFFFFF0, v61  }
0x5b: {  	v3 =	vor.u32 v3, v4  }
0x5c: {  	v4 =	vperm.xlane v3, v0;
	_ =	sdelay $0x1  }
0x5d: {  	v3 =	vperm.xlane v3, v2;
	v4 =	vadd.s32 v1, v4;
	_ =	sdelay $0x1  }
0x5e: {  	v3 =	vadd.s32 v1, v3;
	_ =	sdelay $0x1  }
0x5f: {  	s22 =	simm.s32 $0x1AD00  }
0x60: {  	[tilespmem:s22], [sflag:$0x6] =	stream.indirect_vreg.gather [hbm4b:s5+s2], $0x80, v4, vm0, $0xb8;
	[tilespmem:$0x1DD00] =	vst v63  }
0x61: {  	s6 =	simm.s32 $0x1B500  }
0x62: {  	[tilespmem:s6], [sflag:$0x6] =	stream.indirect_vreg.gather [hbm4b:s5+s2], $0x80, v3, vm0, $0xb8;
	[tilespmem:$0x1DD00] =	vst v63  }
0x63: {  	v3 =	vld [tilespmem:$0x11CE0];
	_ =	sdelay $0x4  }
0x64: {  	v62 =	vshll.u32 v3, $0x1  }
0x65: {  	v3 =	vand.u32 $0x7, v3;
	v4 =	vand.u32 $0xFFFFFFF0, v62  }
0x66: {  	v3 =	vor.u32 v3, v4  }
0x67: {  	v4 =	vperm.xlane v3, v0;
	_ =	sdelay $0x1  }
0x68: {  	v3 =	vperm.xlane v3, v2;
	v4 =	vadd.s32 v1, v4;
	_ =	sdelay $0x1  }
0x69: {  	v3 =	vadd.s32 v1, v3;
	_ =	sdelay $0x1  }
0x6a: {  	s7 =	simm.s32 $0x1BD00  }
0x6b: {  	[tilespmem:s7], [sflag:$0x6] =	stream.indirect_vreg.gather [hbm4b:s5+s2], $0x80, v4, vm0, $0xb8;
	[tilespmem:$0x1DD00] =	vst v63  }
0x6c: {  	s22 =	simm.s32 $0x1C500  }
0x6d: {  	[tilespmem:s22], [sflag:$0x6] =	stream.indirect_vreg.gather [hbm4b:s5+s2], $0x80, v3, vm0, $0xb8;
	[tilespmem:$0x1DD00] =	vst v63  }
0x6e: {  	v3 =	vld [tilespmem:$0x11CF0];
	_ =	sdelay $0x4  }
0x6f: {  	v63 =	vshll.u32 v3, $0x1  }
0x70: {  	v3 =	vand.u32 $0x7, v3;
	v4 =	vand.u32 $0xFFFFFFF0, v63  }
0x71: {  	v3 =	vor.u32 v3, v4  }
0x72: {  	v4 =	vperm.xlane v3, v0;
	_ =	sdelay $0x1  }
0x73: {  	v3 =	vperm.xlane v3, v2;
	v4 =	vadd.s32 v1, v4;
	_ =	sdelay $0x1  }
0x74: {  	v3 =	vadd.s32 v1, v3;
	_ =	sdelay $0x1  }
0x75: {  	s6 =	simm.s32 $0x1CD00  }
0x76: {  	[tilespmem:s6], [sflag:$0x6] =	stream.indirect_vreg.gather [hbm4b:s5+s2], $0x80, v4, vm0, $0xb8;
	[tilespmem:$0x1DD00] =	vst v63  }
0x77: {  	s7 =	simm.s32 $0x1D500  }
0x78: {  	[tilespmem:s7], [sflag:$0x6] =	stream.indirect_vreg.gather [hbm4b:s5+s2], $0x80, v3, vm0, $0xb8;
	[tilespmem:$0x1DD00] =	vst v63  }
0x79: {  	_ = 	snop  }
0x7a: {  	[tilespmem:s2], [sflag:$0x7] =	stream.linear.gather [hbm4b:s8+s2], $0x1900, $0x38;
	[tilespmem:$0x1DD00] =	vst v63  }
0x7b: {  	_ =	swait.ge [sflag:s17], $0x1900  }
0x7c: {  	[sflag:s17] =	ssyncset.done $0x0  }
0x7d: {  	[sflag:s17] =	ssyncadd.s32 $0xFFFFE700  }
0x7e: {  	[tilespmem:s25], [sflag:$0x1] =	stream.indirect.gather [hbm4b:s3+s19], $0x80, s2, s19, $0xb8;
	[tilespmem:$0x1DD00] =	vst v63  }
0x7f: {  	s22 =	simm.s32 $0x80  }
0x80: {  	[tilespmem:s26], [sflag:$0x2] =	stream.indirect.gather [hbm4b:s3+s19], $0x80, s22, s19, $0xb8;
	[tilespmem:$0x1DD00] =	vst v63  }
0x81: {  	s6 =	simm.s32 $0x100  }
0x82: {  	[tilespmem:s28], [sflag:$0x3] =	stream.indirect.gather [hbm4b:s3+s19], $0x80, s6, s19, $0xb8;
	[tilespmem:$0x1DD00] =	vst v63  }
0x83: {  	s7 =	simm.s32 $0x180  }
0x84: {  	[tilespmem:s29], [sflag:$0x4] =	stream.indirect.gather [hbm4b:s3+s19], $0x80, s7, s19, $0xb8;
	[tilespmem:$0x1DD00] =	vst v63  }
0x85: {  	_ =	swait.ge [sflag:s30], $0x4000  }
0x86: {  	[sflag:s30] =	ssyncset.done $0x0  }
0x87: {  	s22 =	sadd.s32 $0x0, s14;
	[sflag:s30] =	ssyncadd.s32 $0xFFFFC000  }
0x88: {  	[hbm4b:s22+s2] =	stream.linear.scatter [tilespmem:s25], [sflag:$0x7], $0x4000, $0x38;
	[tilespmem:$0x1DD00] =	vst v63  }
0x89: {  	_ =	swait.ge [sflag:s17], $0x4000  }
0x8a: {  	[sflag:s17] =	ssyncset.done $0x0  }
0x8b: {  	[sflag:s17] =	ssyncadd.s32 $0xFFFFC000  }
0x8c: {  	_ =	swait.ge [sflag:s31], $0x4000  }
0x8d: {  	s6 =	sadd.s32 $0x0, s15;
	[sflag:s31] =	ssyncset.done $0x0  }
0x8e: {  	s22 =	sadd.s32 $0x800, s6;
	[sflag:s31] =	ssyncadd.s32 $0xFFFFC000  }
0x8f: {  	[hbm4b:s22+s2] =	stream.linear.scatter [tilespmem:s26], [sflag:$0x7], $0x4000, $0x38;
	[tilespmem:$0x1DD00] =	vst v63  }
0x90: {  	_ =	swait.ge [sflag:s17], $0x4000  }
0x91: {  	[sflag:s17] =	ssyncset.done $0x0  }
0x92: {  	[sflag:s17] =	ssyncadd.s32 $0xFFFFC000  }
0x93: {  	_ =	swait.ge [sflag:s1], $0x4000  }
0x94: {  	[sflag:s1] =	ssyncset.done $0x0  }
0x95: {  	s7 =	sadd.s32 $0x1000, s6;
	[sflag:s1] =	ssyncadd.s32 $0xFFFFC000  }
0x96: {  	[hbm4b:s7+s2] =	stream.linear.scatter [tilespmem:s28], [sflag:$0x7], $0x4000, $0x38;
	[tilespmem:$0x1DD00] =	vst v63  }
0x97: {  	_ =	swait.ge [sflag:s17], $0x4000  }
0x98: {  	[sflag:s17] =	ssyncset.done $0x0  }
0x99: {  	[sflag:s17] =	ssyncadd.s32 $0xFFFFC000  }
0x9a: {  	_ =	swait.ge [sflag:s0], $0x4000  }
0x9b: {  	[sflag:s0] =	ssyncset.done $0x0  }
0x9c: {  	s4 =	sadd.s32 $0x1800, s6;
	[sflag:s0] =	ssyncadd.s32 $0xFFFFC000  }
0x9d: {  	[hbm4b:s4+s2] =	stream.linear.scatter [tilespmem:s29], [sflag:$0x7], $0x4000, $0x38;
	[tilespmem:$0x1DD00] =	vst v63  }
0x9e: {  	_ =	swait.ge [sflag:s17], $0x4000  }
0x9f: {  	s22 =	simm.s32 $0x2000;
	s4 =	simm.s32 $0x0;
	[sflag:s17] =	ssyncset.done $0x0  }
.LBB2_2:
0xa0: {  	p0 =	sne.s32 s22, $0x16000;
	[sflag:s17] =	ssyncadd.s32 $0xFFFFC000;
	s4 =	sadd.s32 $0x200, s4  }
0xa1: {  	[tilespmem:s25], [sflag:$0x1] =	stream.indirect.gather [hbm4b:s3+s19], $0x80, s4, s19, $0xb8;
	[tilespmem:$0x1DD00] =	vst v63  }
0xa2: {  	s7 =	smov.u32 s22;
	s22 =	sadd.s32 $0x2000, s22;
	s6 =	sadd.s32 $0x80, s4  }
0xa3: {  	[tilespmem:s26], [sflag:$0x2] =	stream.indirect.gather [hbm4b:s3+s19], $0x80, s6, s19, $0xb8;
	[tilespmem:$0x1DD00] =	vst v63  }
0xa4: {  	s6 =	sadd.s32 $0x100, s4  }
0xa5: {  	[tilespmem:s28], [sflag:$0x3] =	stream.indirect.gather [hbm4b:s3+s19], $0x80, s6, s19, $0xb8;
	[tilespmem:$0x1DD00] =	vst v63  }
0xa6: {  	s6 =	sadd.s32 $0x180, s4  }
0xa7: {  	[tilespmem:s29], [sflag:$0x4] =	stream.indirect.gather [hbm4b:s3+s19], $0x80, s6, s19, $0xb8;
	[tilespmem:$0x1DD00] =	vst v63  }
0xa8: {  	_ =	swait.ge [sflag:s30], $0x4000  }
0xa9: {  	[sflag:s30] =	ssyncset.done $0x0  }
0xaa: {  	s6 =	sadd.s32 s7, s14;
	[sflag:s30] =	ssyncadd.s32 $0xFFFFC000  }
0xab: {  	[hbm4b:s6+s2] =	stream.linear.scatter [tilespmem:s25], [sflag:$0x7], $0x4000, $0x38;
	[tilespmem:$0x1DD00] =	vst v63  }
0xac: {  	_ =	swait.ge [sflag:s17], $0x4000  }
0xad: {  	[sflag:s17] =	ssyncset.done $0x0  }
0xae: {  	[sflag:s17] =	ssyncadd.s32 $0xFFFFC000  }
0xaf: {  	_ =	swait.ge [sflag:s31], $0x4000  }
0xb0: {  	s6 =	sadd.s32 s7, s15;
	[sflag:s31] =	ssyncset.done $0x0  }
0xb1: {  	s7 =	sadd.s32 $0x800, s6;
	[sflag:s31] =	ssyncadd.s32 $0xFFFFC000  }
0xb2: {  	[hbm4b:s7+s2] =	stream.linear.scatter [tilespmem:s26], [sflag:$0x7], $0x4000, $0x38;
	[tilespmem:$0x1DD00] =	vst v63  }
0xb3: {  	_ =	swait.ge [sflag:s17], $0x4000  }
0xb4: {  	[sflag:s17] =	ssyncset.done $0x0  }
0xb5: {  	[sflag:s17] =	ssyncadd.s32 $0xFFFFC000  }
0xb6: {  	_ =	swait.ge [sflag:s1], $0x4000  }
0xb7: {  	[sflag:s1] =	ssyncset.done $0x0  }
0xb8: {  	s7 =	sadd.s32 $0x1000, s6;
	[sflag:s1] =	ssyncadd.s32 $0xFFFFC000  }
0xb9: {  	[hbm4b:s7+s2] =	stream.linear.scatter [tilespmem:s28], [sflag:$0x7], $0x4000, $0x38;
	[tilespmem:$0x1DD00] =	vst v63  }
0xba: {  	_ =	swait.ge [sflag:s17], $0x4000  }
0xbb: {  	[sflag:s17] =	ssyncset.done $0x0  }
0xbc: {  	[sflag:s17] =	ssyncadd.s32 $0xFFFFC000  }
0xbd: {  	_ =	swait.ge [sflag:s0], $0x4000  }
.Ltmp0:
0xbe: {  	[sflag:s0] =	ssyncset.done $0x0;
	(pc) =	sbr.rel @p0 .LBB2_2-.Ltmp0, $4  }
0xbf: {  	s6 =	sadd.s32 $0x1800, s6;
	[sflag:s0] =	ssyncadd.s32 $0xFFFFC000  }
0xc0: {  	[hbm4b:s6+s2] =	stream.linear.scatter [tilespmem:s29], [sflag:$0x7], $0x4000, $0x38;
	[tilespmem:$0x1DD00] =	vst v63  }
0xc1: {  	_ =	swait.ge [sflag:s17], $0x4000  }
0xc2: {  	[sflag:s17] =	ssyncset.done $0x0  }
0xc3: {  	[sflag:s17] =	ssyncadd.s32 $0xFFFFC000;
	s4 =	simm.s32 $0x1800  }
0xc4: {  	[tilespmem:s25], [sflag:$0x1] =	stream.indirect.gather [hbm4b:s3+s19], $0x80, s4, s19, $0xb8;
	[tilespmem:$0x1DD00] =	vst v63  }
0xc5: {  	_ =	swait.ge [sflag:s30], $0x4000  }
0xc6: {  	[sflag:s30] =	ssyncset.done $0x0  }
0xc7: {  	[sflag:s30] =	ssyncadd.s32 $0xFFFFC000  }
0xc8: {  	[hbm4b:s9+s2] =	stream.linear.scatter [tilespmem:s25], [sflag:$0x7], $0x4000, $0x38;
	[tilespmem:$0x1DD00] =	vst v63  }
0xc9: {  	_ =	swait.ge [sflag:s17], $0x4000  }
0xca: {  	[sflag:s17] =	ssyncset.done $0x0  }
0xcb: {  	s22 =	simm.s32 $0x1880;
	[sflag:s17] =	ssyncadd.s32 $0xFFFFC000  }
0xcc: {  	[tilespmem:s26], [sflag:$0x2] =	stream.indirect.gather [hbm4b:s3+s19], $0x80, s22, s19, $0xb8;
	[tilespmem:$0x1DD00] =	vst v63  }
0xcd: {  	_ =	swait.ge [sflag:s31], $0x4000  }
0xce: {  	[sflag:s31] =	ssyncset.done $0x0  }
0xcf: {  	[sflag:s31] =	ssyncadd.s32 $0xFFFFC000  }
0xd0: {  	[hbm4b:s10+s2] =	stream.linear.scatter [tilespmem:s26], [sflag:$0x7], $0x4000, $0x38;
	[tilespmem:$0x1DD00] =	vst v63  }
0xd1: {  	_ =	swait.ge [sflag:s17], $0x4000  }
0xd2: {  	[sflag:s17] =	ssyncset.done $0x0  }
0xd3: {  	[sflag:s17] =	ssyncadd.s32 $0xFFFFC000  }
0xd4: {  	_ =	swait.ge [sflag:s23], $0x4000  }
0xd5: {  	[sflag:s23] =	ssyncset.done $0x0  }
0xd6: {  	[sflag:s23] =	ssyncadd.s32 $0xFFFFC000  }
0xd7: {  	[hbm4b:s11+s2] =	stream.linear.scatter [tilespmem:s20], [sflag:$0x7], $0x4000, $0x38;
	[tilespmem:$0x1DD00] =	vst v63  }
0xd8: {  	_ =	swait.ge [sflag:s17], $0x4000  }
0xd9: {  	[sflag:s17] =	ssyncset.done $0x0  }
0xda: {  	[sflag:s17] =	ssyncadd.s32 $0xFFFFC000  }
0xdb: {  	s18 =	sadd.s32 $0x1, s18;
	_ =	swait.ge [sflag:s24], $0x8000  }
0xdc: {  	p0 =	sne.s32 s18, s13;
	[sflag:s24] =	ssyncset.done $0x0  }
.Ltmp1:
0xdd: {  	[sflag:s24] =	ssyncadd.s32 $0xFFFF8000;
	(pc) =	sbr.rel @p0 .LBB2_1-.Ltmp1, $4  }
0xde: {  	[hbm4b:s12+s2] =	stream.linear.scatter [tilespmem:s21], [sflag:$0x7], $0x8000, $0x38;
	[tilespmem:$0x1DD00] =	vst v63  }
0xdf: {  	_ =	swait.ge [sflag:s17], $0x8000  }
0xe0: {  	[sflag:s17] =	ssyncset.done $0x0  }
0xe1: {  	[sflag:s17] =	ssyncadd.s32 $0xFFFF8000  }
0xe2: {  	_ =	sfence.sel $0x180000  }
0xe3: {  	[bflag:$0x0] =	sbarrier.arrive $0xFFFF  }
0xe4: {  	_ =	strace $0x90000047  }
0xe5: {  	s0 =	stileid.u32;
	[bflag:$0x2] =	sbarrier.arrive $0xFFFF  }
0xe6: {  	p0 =	sne.s32 s0, $0x0;
	s0 =	rddreg [dreg:$0x4]  }
0xe7: {  	s0 =	sadd.s32 @!p0 $0x100000, s0  }
0xe8: {  	[sflag:s0] =	ssyncadd.tile.s32 @!p0 $0x1;
	_ =	shalt  }
.Lfunc_end2:
_tile_overlayer_lowered:
.L_overlay_start_2:
0xe9: {  	(tag) =	ssettag $0x2  }
0xea: {  	s0 =	rddreg [dreg:$0x0];
	s2 =	stileid.u32  }
0xeb: {  	s1 =	rddreg [dreg:$0x1];
	p0 =	sne.s32 s2, $0x0  }
0xec: {  	s3 =	rddreg [dreg:$0x2];
	[bflag:$0x3] =	sbarrier.arrive $0xFFFF;
	s2 =	simm.s32 @!p0 $0x1C07  }
0xed: {  	[timem:s3], [sflag:s2] =	dma.local @!p0 [hbm:s0], s1  }
0xee: {  	s0 =	simm.s32 @!p0 $0x7  }
0xef: {  	_ =	swait.ge @!p0 [sflag:s0], s1  }
0xf0: {  	s1 =	ssub.s32 @!p0 $0x0, s1;
	[sflag:s0] =	ssyncset.done @!p0 $0x0  }
0xf1: {  	[sflag:s0] =	ssyncadd.s32 @!p0 s1  }
0xf2: {  	[bflag:$0x3] =	sbarrier.arrive $0xFFFF  }
0xf3: {  	_ =	shalt  }

</sc_bundles>
